<compile_context>
chip_gen: v7x
topology: tpu7x:2x2x1
jax: 0.10.2.dev20260603
libtpu: 0.0.44.dev20260713+nightly
codegen_flags: <defaults>
</compile_context>

<pallas_src>
import functools
import jax
import jax.numpy as jnp
from jax import lax
from jax.experimental import pallas as pl
from jax.experimental.pallas import tpu as pltpu, tpu_sc as plsc

N_ROWS = 1000001
K = 64
T = 50
B = 16384

NC = 2
NS = 16
NW = NC * NS
CHUNK = B // NW
SUB = 128
NSUB = CHUNK // SUB
KV = K // 16


def _ctx_body(seqT_hbm, vli_hbm, ctx_hbm, cnt_hbm,
              seq_v, acc_v, out_v, cnt_v, sem_acc):
    wid = lax.axis_index("s") * NC + lax.axis_index("c")
    base = wid * CHUNK

    pltpu.sync_copy(seqT_hbm.at[:, pl.ds(base, CHUNK)], seq_v)

    @pl.loop(0, NSUB)
    def _sub(sub):
        off = pl.multiple_of(sub * SUB, SUB)

        @pl.loop(0, SUB)
        def _zero(r):
            for k in range(KV):
                acc_v[r, pl.ds(k * 16, 16)] = jnp.zeros((16,), jnp.float32)

        @pl.loop(0, T)
        def _fire(t):
            pltpu.async_copy(vli_hbm.at[seq_v.at[t, pl.ds(off, SUB)]],
                             acc_v, sem_acc, add=True)

        @pl.loop(0, SUB // 16)
        def _cnt(g):
            @pl.loop(0, T, init_carry=jnp.zeros((16,), jnp.float32))
            def cnt(t, c):
                s = seq_v[t, pl.ds(pl.multiple_of(off + g * 16, 16), 16)]
                return c + jnp.where(s != 0, 1.0, 0.0).astype(jnp.float32)

            cnt_v[pl.ds(pl.multiple_of(off + g * 16, 16), 16)] = cnt

        @pl.loop(0, T)
        def _drain(t):
            pltpu.make_async_copy(vli_hbm.at[pl.ds(0, SUB)],
                                  acc_v, sem_acc).wait()

        @pl.loop(0, SUB)
        def _flat(r):
            for k in range(KV):
                out_v[pl.ds((off + r) * K + k * 16, 16)] = \
                    acc_v[r, pl.ds(k * 16, 16)]

    pltpu.sync_copy(out_v, ctx_hbm.at[pl.ds(base * K, CHUNK * K)])
    pltpu.sync_copy(cnt_v, cnt_hbm.at[pl.ds(base, CHUNK)])


def _score_body(users_hbm, items_hbm, vui_hbm, viu_hbm, vil_hbm,
                ctx_hbm, cnt_hbm, out_hbm,
                users_s, items_s, idx_v, idx2_v, u_v, iu_v, il_v, ctx_v,
                cnt_v, out_v, sem_rows):
    wid = lax.axis_index("s") * NC + lax.axis_index("c")
    base = wid * CHUNK

    pltpu.sync_copy(users_hbm.at[pl.ds(base, CHUNK)], idx_v)
    pltpu.sync_copy(items_hbm.at[pl.ds(base, CHUNK)], idx2_v)
    pltpu.sync_copy(cnt_hbm.at[pl.ds(base, CHUNK)], cnt_v)

    @pl.loop(0, CHUNK // 16)
    def _stage(g):
        uv = idx_v[pl.ds(pl.multiple_of(g * 16, 16), 16)]
        iv = idx2_v[pl.ds(pl.multiple_of(g * 16, 16), 16)]
        for j in range(16):
            users_s[g * 16 + j] = jax.lax.index_in_dim(uv, j, 0, False)
            items_s[g * 16 + j] = jax.lax.index_in_dim(iv, j, 0, False)

    @pl.loop(0, NSUB)
    def _sub(sub):
        off = pl.multiple_of(sub * SUB, SUB)

        pltpu.async_copy(ctx_hbm.at[pl.ds((base + off) * K, SUB * K)],
                         ctx_v, sem_rows)

        @pl.loop(0, SUB)
        def _fetch(r):
            u = users_s[off + r]
            i = items_s[off + r]
            pltpu.async_copy(vui_hbm.at[pl.ds(u, 1)], u_v.at[pl.ds(r, 1)],
                             sem_rows)
            pltpu.async_copy(viu_hbm.at[pl.ds(i, 1)], iu_v.at[pl.ds(r, 1)],
                             sem_rows)
            pltpu.async_copy(vil_hbm.at[pl.ds(i, 1)], il_v.at[pl.ds(r, 1)],
                             sem_rows)

        pltpu.make_async_copy(ctx_hbm.at[pl.ds(0, SUB * K)], ctx_v,
                              sem_rows).wait()
        pltpu.make_async_copy(vui_hbm.at[pl.ds(0, SUB)], u_v, sem_rows).wait()
        pltpu.make_async_copy(vui_hbm.at[pl.ds(0, SUB)], iu_v, sem_rows).wait()
        pltpu.make_async_copy(vui_hbm.at[pl.ds(0, SUB)], il_v, sem_rows).wait()

        @pl.loop(0, SUB // 16)
        def _grp(g):
            lanes = lax.iota(jnp.int32, 16)
            cnt = cnt_v[pl.ds(pl.multiple_of(off + g * 16, 16), 16)]
            inv = 1.0 / jnp.maximum(cnt, 1.0)

            zero16 = jnp.zeros((16,), jnp.float32)

            @pl.loop(0, 16, init_carry=(zero16, zero16))
            def dots(j, carry):
                s_ui_acc, s_il_acc = carry
                r = g * 16 + j
                s_ui = zero16
                s_il = zero16
                for k in range(KV):
                    ks = pl.ds(k * 16, 16)
                    s_ui = s_ui + u_v[r, ks] * iu_v[r, ks]
                    s_il = s_il + il_v[r, ks] * ctx_v[pl.ds(r * K + k * 16, 16)]
                onehot = jnp.where(lanes == j, 1.0, 0.0).astype(jnp.float32)
                return (s_ui_acc + jnp.sum(s_ui) * onehot,
                        s_il_acc + jnp.sum(s_il) * onehot)

            score = dots[0] + dots[1] * inv
            out_v[pl.ds(pl.multiple_of(off + g * 16, 16), 16)] = score

    pltpu.sync_copy(out_v, out_hbm.at[pl.ds(base, CHUNK)])


@jax.jit
def kernel(users, items, seq_padded, VUI, VIU, VIL, VLI):
    seq_t = jnp.asarray(seq_padded, jnp.int32).T
    users = jnp.asarray(users, jnp.int32)
    items = jnp.asarray(items, jnp.int32)

    mesh = plsc.VectorSubcoreMesh(core_axis_name="c", subcore_axis_name="s")

    ctx_call = pl.kernel(
        _ctx_body,
        out_type=[jax.ShapeDtypeStruct((B * K,), jnp.float32),
                  jax.ShapeDtypeStruct((B,), jnp.float32)],
        mesh=mesh,
        compiler_params=pltpu.CompilerParams(use_tc_tiling_on_sc=False,
                                             needs_layout_passes=False),
        scratch_types=[
            pltpu.VMEM((T, CHUNK), jnp.int32),
            pltpu.VMEM((SUB, K), jnp.float32),
            pltpu.VMEM((CHUNK * K,), jnp.float32),
            pltpu.VMEM((CHUNK,), jnp.float32),
            pltpu.SemaphoreType.DMA,
        ],
    )
    ctx_sum, counts = ctx_call(seq_t, VLI)

    score_call = pl.kernel(
        _score_body,
        out_type=jax.ShapeDtypeStruct((B,), jnp.float32),
        mesh=mesh,
        compiler_params=pltpu.CompilerParams(use_tc_tiling_on_sc=True,
                                             needs_layout_passes=False),
        scratch_types=[
            pltpu.SMEM((CHUNK,), jnp.int32),
            pltpu.SMEM((CHUNK,), jnp.int32),
            pltpu.VMEM((CHUNK,), jnp.int32),
            pltpu.VMEM((CHUNK,), jnp.int32),
            pltpu.VMEM((SUB, K), jnp.float32),
            pltpu.VMEM((SUB, K), jnp.float32),
            pltpu.VMEM((SUB, K), jnp.float32),
            pltpu.VMEM((SUB * K,), jnp.float32),
            pltpu.VMEM((CHUNK,), jnp.float32),
            pltpu.VMEM((CHUNK,), jnp.float32),
            pltpu.SemaphoreType.DMA,
        ],
    )
    return score_call(users, items, VUI, VIU, VIL, ctx_sum, counts)

# --- scband reference (transcript-rebuilt; emitter-appended) ---
"""Pipeline reference for scband-fpmc-88545045775015 (READ-ONLY COPY).

The authoritative reference and input builder live on the scoring server;
editing this copy changes nothing except your own understanding.
"""

import jax, jax.numpy as jnp
import numpy as np

N_USER = 1000000
N_ITEM = 1000000
K = 64
PAD = 0
B = 16384
T = 50


def _init_table(k, rows):
    limit = float(np.sqrt(6.0 / (rows + K)))
    t = jax.random.uniform(k, (rows, K), minval=-limit, maxval=limit, dtype=jnp.float32)
    return t.at[PAD].set(0.0)


def setup_inputs(seed: int = 0) -> dict:
    key = jax.random.key(seed)
    ks = jax.random.split(key, 7)
    VUI = _init_table(ks[0], N_USER + 1)
    VIU = _init_table(ks[1], N_ITEM + 1)
    VIL = _init_table(ks[2], N_ITEM + 1)
    VLI = _init_table(ks[3], N_ITEM + 1)
    users = jax.random.randint(ks[4], (B,), 0, 1000000)
    items = jax.random.randint(ks[5], (B,), 0, 1000000)
    seq_padded = jax.random.randint(ks[6], (B, T), 0, 1000000)
    return {"users": users, "items": items, "seq_padded": seq_padded,
            "VUI": VUI, "VIU": VIU, "VIL": VIL, "VLI": VLI}


def reference(users, items, seq_padded, VUI, VIU, VIL, VLI):
    # mask from padding idx
    mask = (seq_padded != PAD).astype(jnp.float32)  # (B, T)
    u = jnp.take(VUI, users, axis=0)        # (B, K)
    i_ui = jnp.take(VIU, items, axis=0)     # (B, K)
    i_il = jnp.take(VIL, items, axis=0)     # (B, K)
    l_emb = jnp.take(VLI, seq_padded, axis=0)  # (B, T, K)
    masked = l_emb * mask[..., None]
    lengths = jnp.clip(jnp.sum(mask, axis=1), 1.0, None)
    context = jnp.sum(masked, axis=1) / lengths[:, None]  # (B, K)
    score = jnp.sum(u * i_ui, axis=-1) + jnp.sum(i_il * context, axis=-1)  # (B,)
    return score

if __name__ == "__main__":
    import jax
    _d = setup_inputs()
    print(jax.jit(kernel)(*tuple(_d.values())))

</pallas_src>

<mosaic_0001>
#map = affine_map<(d0, d1) -> (0)>
#map1 = affine_map<(d0, d1) -> (0, 0)>
module attributes {stable_mosaic.version = 14 : i64} {
  func.func @_score_body(%arg0: i32, %arg1: i32, %arg2: memref<16384xi32, #tpu.memory_space<hbm>>, %arg3: memref<16384xi32, #tpu.memory_space<hbm>>, %arg4: memref<1000001x64xf32, #tpu.memory_space<hbm>>, %arg5: memref<1000001x64xf32, #tpu.memory_space<hbm>>, %arg6: memref<1000001x64xf32, #tpu.memory_space<hbm>>, %arg7: memref<1048576xf32, #tpu.memory_space<hbm>>, %arg8: memref<16384xf32, #tpu.memory_space<hbm>>, %arg9: memref<16384xf32, #tpu.memory_space<hbm>>, %arg10: memref<512xi32, #tpu.memory_space<smem>>, %arg11: memref<512xi32, #tpu.memory_space<smem>>, %arg12: memref<512xi32, #tpu.memory_space<vmem>>, %arg13: memref<512xi32, #tpu.memory_space<vmem>>, %arg14: memref<128x64xf32, #tpu.memory_space<vmem>>, %arg15: memref<128x64xf32, #tpu.memory_space<vmem>>, %arg16: memref<128x64xf32, #tpu.memory_space<vmem>>, %arg17: memref<8192xf32, #tpu.memory_space<vmem>>, %arg18: memref<512xf32, #tpu.memory_space<vmem>>, %arg19: memref<512xf32, #tpu.memory_space<vmem>>, %arg20: memref<!tpu.dma_semaphore, #tpu.memory_space<semaphore_mem>>) attributes {dimension_semantics = [#tpu.dimension_semantics<core_parallel>, #tpu.dimension_semantics<subcore_parallel>], iteration_bounds = array<i64: 2, 16>, scalar_prefetch = 0 : i64, scratch_operands = 11 : i64, tpu.core_type = #tpu.core_type<sc_vector_subcore>, window_params = [{transform_indices = #map}, {transform_indices = #map}, {transform_indices = #map1}, {transform_indices = #map1}, {transform_indices = #map1}, {transform_indices = #map}, {transform_indices = #map}, {transform_indices = #map}]} {
    %mul3A = arith.constant 2 : i32
    %mul3A_0 = arith.muli %arg1, %mul3A : i32
    %add3A = arith.addi %mul3A_0, %arg0 : i32
    %mul3A_1 = arith.constant 512 : i32
    %mul3A_2 = arith.muli %add3A, %mul3A_1 : i32
    "tpu.region"() ({
      %run_scoped3A = tpu.sem_alloc : memref<!tpu.dma_semaphore, #tpu.memory_space<semaphore_mem>>
      %dma_start3A = tpu.memref_slice %arg2[%mul3A_2] : memref<16384xi32, #tpu.memory_space<hbm>> -> memref<512xi32, #tpu.memory_space<hbm>>
      %dma_start3A_12 = tpu.memref_slice %arg2[%mul3A_2] : memref<16384xi32, #tpu.memory_space<hbm>> -> memref<512xi32, #tpu.memory_space<hbm>>
      tpu.enqueue_dma source(%dma_start3A_12 : memref<512xi32, #tpu.memory_space<hbm>>) target(%arg12 : memref<512xi32, #tpu.memory_space<vmem>>) target_semaphore(%run_scoped3A : memref<!tpu.dma_semaphore, #tpu.memory_space<semaphore_mem>>)
      %dma_wait3A = tpu.memref_slice %arg2[%mul3A_2] : memref<16384xi32, #tpu.memory_space<hbm>> -> memref<512xi32, #tpu.memory_space<hbm>>
      %dma_wait3A_13 = tpu.memref_slice %arg2[%mul3A_2] : memref<16384xi32, #tpu.memory_space<hbm>> -> memref<512xi32, #tpu.memory_space<hbm>>
      tpu.wait_dma2 semaphore(%run_scoped3A : memref<!tpu.dma_semaphore, #tpu.memory_space<semaphore_mem>>) src(%dma_wait3A_13 : memref<512xi32, #tpu.memory_space<hbm>>) dst(%arg12 : memref<512xi32, #tpu.memory_space<vmem>>)
      tpu.yield
    }) : () -> ()
    "tpu.region"() ({
      %run_scoped3A = tpu.sem_alloc : memref<!tpu.dma_semaphore, #tpu.memory_space<semaphore_mem>>
      %dma_start3A = tpu.memref_slice %arg3[%mul3A_2] : memref<16384xi32, #tpu.memory_space<hbm>> -> memref<512xi32, #tpu.memory_space<hbm>>
      %dma_start3A_12 = tpu.memref_slice %arg3[%mul3A_2] : memref<16384xi32, #tpu.memory_space<hbm>> -> memref<512xi32, #tpu.memory_space<hbm>>
      tpu.enqueue_dma source(%dma_start3A_12 : memref<512xi32, #tpu.memory_space<hbm>>) target(%arg13 : memref<512xi32, #tpu.memory_space<vmem>>) target_semaphore(%run_scoped3A : memref<!tpu.dma_semaphore, #tpu.memory_space<semaphore_mem>>)
      %dma_wait3A = tpu.memref_slice %arg3[%mul3A_2] : memref<16384xi32, #tpu.memory_space<hbm>> -> memref<512xi32, #tpu.memory_space<hbm>>
      %dma_wait3A_13 = tpu.memref_slice %arg3[%mul3A_2] : memref<16384xi32, #tpu.memory_space<hbm>> -> memref<512xi32, #tpu.memory_space<hbm>>
      tpu.wait_dma2 semaphore(%run_scoped3A : memref<!tpu.dma_semaphore, #tpu.memory_space<semaphore_mem>>) src(%dma_wait3A_13 : memref<512xi32, #tpu.memory_space<hbm>>) dst(%arg13 : memref<512xi32, #tpu.memory_space<vmem>>)
      tpu.yield
    }) : () -> ()
    "tpu.region"() ({
      %run_scoped3A = tpu.sem_alloc : memref<!tpu.dma_semaphore, #tpu.memory_space<semaphore_mem>>
      %dma_start3A = tpu.memref_slice %arg8[%mul3A_2] : memref<16384xf32, #tpu.memory_space<hbm>> -> memref<512xf32, #tpu.memory_space<hbm>>
      %dma_start3A_12 = tpu.memref_slice %arg8[%mul3A_2] : memref<16384xf32, #tpu.memory_space<hbm>> -> memref<512xf32, #tpu.memory_space<hbm>>
      tpu.enqueue_dma source(%dma_start3A_12 : memref<512xf32, #tpu.memory_space<hbm>>) target(%arg18 : memref<512xf32, #tpu.memory_space<vmem>>) target_semaphore(%run_scoped3A : memref<!tpu.dma_semaphore, #tpu.memory_space<semaphore_mem>>)
      %dma_wait3A = tpu.memref_slice %arg8[%mul3A_2] : memref<16384xf32, #tpu.memory_space<hbm>> -> memref<512xf32, #tpu.memory_space<hbm>>
      %dma_wait3A_13 = tpu.memref_slice %arg8[%mul3A_2] : memref<16384xf32, #tpu.memory_space<hbm>> -> memref<512xf32, #tpu.memory_space<hbm>>
      tpu.wait_dma2 semaphore(%run_scoped3A : memref<!tpu.dma_semaphore, #tpu.memory_space<semaphore_mem>>) src(%dma_wait3A_13 : memref<512xf32, #tpu.memory_space<hbm>>) dst(%arg18 : memref<512xf32, #tpu.memory_space<vmem>>)
      tpu.yield
    }) : () -> ()
    %scan3A = arith.constant 0 : i32
    %scan3A_3 = arith.constant 32 : i32
    %scan3A_4 = arith.addi %scan3A, %scan3A_3 : i32
    %scan3A_5 = arith.constant 1 : i32
    scf.for %scan3A_12 = %scan3A to %scan3A_4 step %scan3A_5  : i32 {
      %mul3A_13 = arith.constant 1 : i32
      %mul3A_14 = arith.muli %scan3A_12, %mul3A_13 : i32
      %add3A_15 = arith.constant 0 : i32
      %add3A_16 = arith.addi %add3A_15, %mul3A_14 : i32
      %mul3A_17 = arith.constant 16 : i32
      %mul3A_18 = arith.muli %add3A_16, %mul3A_17 : i32
      %multiple_of3A = tpu.assume_multiple %mul3A_18, 16 : i32
      %get3A = arith.index_cast %multiple_of3A : i32 to index
      %get3A_19 = tpu.vector_load %arg12[%get3A] {strides = array<i32>} : memref<512xi32, #tpu.memory_space<vmem>>, vector<16xi32>,
      %mul3A_20 = arith.constant 16 : i32
      %mul3A_21 = arith.muli %add3A_16, %mul3A_20 : i32
      %multiple_of3A_22 = tpu.assume_multiple %mul3A_21, 16 : i32
      %get3A_23 = arith.index_cast %multiple_of3A_22 : i32 to index
      %get3A_24 = tpu.vector_load %arg13[%get3A_23] {strides = array<i32>} : memref<512xi32, #tpu.memory_space<vmem>>, vector<16xi32>,
      %slice3A = vector.extract_strided_slice %get3A_19 {offsets = [0], sizes = [1], strides = [1]} : vector<16xi32> to vector<1xi32>
      %squeeze3A = vector.extract %slice3A[0] : i32 from vector<1xi32>
      %mul3A_25 = arith.constant 16 : i32
      %mul3A_26 = arith.muli %add3A_16, %mul3A_25 : i32
      %add3A_27 = arith.constant 0 : i32
      %add3A_28 = arith.addi %mul3A_26, %add3A_27 : i32
      %swap3A = arith.index_cast %add3A_28 : i32 to index
      %swap3A_29 = memref.load %arg10[%swap3A] : memref<512xi32, #tpu.memory_space<smem>>
      memref.store %squeeze3A, %arg10[%swap3A] : memref<512xi32, #tpu.memory_space<smem>>
      %slice3A_30 = vector.extract_strided_slice %get3A_24 {offsets = [0], sizes = [1], strides = [1]} : vector<16xi32> to vector<1xi32>
      %squeeze3A_31 = vector.extract %slice3A_30[0] : i32 from vector<1xi32>
      %mul3A_32 = arith.constant 16 : i32
      %mul3A_33 = arith.muli %add3A_16, %mul3A_32 : i32
      %add3A_34 = arith.constant 0 : i32
      %add3A_35 = arith.addi %mul3A_33, %add3A_34 : i32
      %swap3A_36 = arith.index_cast %add3A_35 : i32 to index
      %swap3A_37 = memref.load %arg11[%swap3A_36] : memref<512xi32, #tpu.memory_space<smem>>
      memref.store %squeeze3A_31, %arg11[%swap3A_36] : memref<512xi32, #tpu.memory_space<smem>>
      %slice3A_38 = vector.extract_strided_slice %get3A_19 {offsets = [1], sizes = [1], strides = [1]} : vector<16xi32> to vector<1xi32>
      %squeeze3A_39 = vector.extract %slice3A_38[0] : i32 from vector<1xi32>
      %mul3A_40 = arith.constant 16 : i32
      %mul3A_41 = arith.muli %add3A_16, %mul3A_40 : i32
      %add3A_42 = arith.constant 1 : i32
      %add3A_43 = arith.addi %mul3A_41, %add3A_42 : i32
      %swap3A_44 = arith.index_cast %add3A_43 : i32 to index
      %swap3A_45 = memref.load %arg10[%swap3A_44] : memref<512xi32, #tpu.memory_space<smem>>
      memref.store %squeeze3A_39, %arg10[%swap3A_44] : memref<512xi32, #tpu.memory_space<smem>>
      %slice3A_46 = vector.extract_strided_slice %get3A_24 {offsets = [1], sizes = [1], strides = [1]} : vector<16xi32> to vector<1xi32>
      %squeeze3A_47 = vector.extract %slice3A_46[0] : i32 from vector<1xi32>
      %mul3A_48 = arith.constant 16 : i32
      %mul3A_49 = arith.muli %add3A_16, %mul3A_48 : i32
      %add3A_50 = arith.constant 1 : i32
      %add3A_51 = arith.addi %mul3A_49, %add3A_50 : i32
      %swap3A_52 = arith.index_cast %add3A_51 : i32 to index
      %swap3A_53 = memref.load %arg11[%swap3A_52] : memref<512xi32, #tpu.memory_space<smem>>
      memref.store %squeeze3A_47, %arg11[%swap3A_52] : memref<512xi32, #tpu.memory_space<smem>>
      %slice3A_54 = vector.extract_strided_slice %get3A_19 {offsets = [2], sizes = [1], strides = [1]} : vector<16xi32> to vector<1xi32>
      %squeeze3A_55 = vector.extract %slice3A_54[0] : i32 from vector<1xi32>
      %mul3A_56 = arith.constant 16 : i32
      %mul3A_57 = arith.muli %add3A_16, %mul3A_56 : i32
      %add3A_58 = arith.constant 2 : i32
      %add3A_59 = arith.addi %mul3A_57, %add3A_58 : i32
      %swap3A_60 = arith.index_cast %add3A_59 : i32 to index
      %swap3A_61 = memref.load %arg10[%swap3A_60] : memref<512xi32, #tpu.memory_space<smem>>
      memref.store %squeeze3A_55, %arg10[%swap3A_60] : memref<512xi32, #tpu.memory_space<smem>>
      %slice3A_62 = vector.extract_strided_slice %get3A_24 {offsets = [2], sizes = [1], strides = [1]} : vector<16xi32> to vector<1xi32>
      %squeeze3A_63 = vector.extract %slice3A_62[0] : i32 from vector<1xi32>
      %mul3A_64 = arith.constant 16 : i32
      %mul3A_65 = arith.muli %add3A_16, %mul3A_64 : i32
      %add3A_66 = arith.constant 2 : i32
      %add3A_67 = arith.addi %mul3A_65, %add3A_66 : i32
      %swap3A_68 = arith.index_cast %add3A_67 : i32 to index
      %swap3A_69 = memref.load %arg11[%swap3A_68] : memref<512xi32, #tpu.memory_space<smem>>
      memref.store %squeeze3A_63, %arg11[%swap3A_68] : memref<512xi32, #tpu.memory_space<smem>>
      %slice3A_70 = vector.extract_strided_slice %get3A_19 {offsets = [3], sizes = [1], strides = [1]} : vector<16xi32> to vector<1xi32>
      %squeeze3A_71 = vector.extract %slice3A_70[0] : i32 from vector<1xi32>
      %mul3A_72 = arith.constant 16 : i32
      %mul3A_73 = arith.muli %add3A_16, %mul3A_72 : i32
      %add3A_74 = arith.constant 3 : i32
      %add3A_75 = arith.addi %mul3A_73, %add3A_74 : i32
      %swap3A_76 = arith.index_cast %add3A_75 : i32 to index
      %swap3A_77 = memref.load %arg10[%swap3A_76] : memref<512xi32, #tpu.memory_space<smem>>
      memref.store %squeeze3A_71, %arg10[%swap3A_76] : memref<512xi32, #tpu.memory_space<smem>>
      %slice3A_78 = vector.extract_strided_slice %get3A_24 {offsets = [3], sizes = [1], strides = [1]} : vector<16xi32> to vector<1xi32>
      %squeeze3A_79 = vector.extract %slice3A_78[0] : i32 from vector<1xi32>
      %mul3A_80 = arith.constant 16 : i32
      %mul3A_81 = arith.muli %add3A_16, %mul3A_80 : i32
      %add3A_82 = arith.constant 3 : i32
      %add3A_83 = arith.addi %mul3A_81, %add3A_82 : i32
      %swap3A_84 = arith.index_cast %add3A_83 : i32 to index
      %swap3A_85 = memref.load %arg11[%swap3A_84] : memref<512xi32, #tpu.memory_space<smem>>
      memref.store %squeeze3A_79, %arg11[%swap3A_84] : memref<512xi32, #tpu.memory_space<smem>>
      %slice3A_86 = vector.extract_strided_slice %get3A_19 {offsets = [4], sizes = [1], strides = [1]} : vector<16xi32> to vector<1xi32>
      %squeeze3A_87 = vector.extract %slice3A_86[0] : i32 from vector<1xi32>
      %mul3A_88 = arith.constant 16 : i32
      %mul3A_89 = arith.muli %add3A_16, %mul3A_88 : i32
      %add3A_90 = arith.constant 4 : i32
      %add3A_91 = arith.addi %mul3A_89, %add3A_90 : i32
      %swap3A_92 = arith.index_cast %add3A_91 : i32 to index
      %swap3A_93 = memref.load %arg10[%swap3A_92] : memref<512xi32, #tpu.memory_space<smem>>
      memref.store %squeeze3A_87, %arg10[%swap3A_92] : memref<512xi32, #tpu.memory_space<smem>>
      %slice3A_94 = vector.extract_strided_slice %get3A_24 {offsets = [4], sizes = [1], strides = [1]} : vector<16xi32> to vector<1xi32>
      %squeeze3A_95 = vector.extract %slice3A_94[0] : i32 from vector<1xi32>
      %mul3A_96 = arith.constant 16 : i32
      %mul3A_97 = arith.muli %add3A_16, %mul3A_96 : i32
      %add3A_98 = arith.constant 4 : i32
      %add3A_99 = arith.addi %mul3A_97, %add3A_98 : i32
      %swap3A_100 = arith.index_cast %add3A_99 : i32 to index
      %swap3A_101 = memref.load %arg11[%swap3A_100] : memref<512xi32, #tpu.memory_space<smem>>
      memref.store %squeeze3A_95, %arg11[%swap3A_100] : memref<512xi32, #tpu.memory_space<smem>>
      %slice3A_102 = vector.extract_strided_slice %get3A_19 {offsets = [5], sizes = [1], strides = [1]} : vector<16xi32> to vector<1xi32>
      %squeeze3A_103 = vector.extract %slice3A_102[0] : i32 from vector<1xi32>
      %mul3A_104 = arith.constant 16 : i32
      %mul3A_105 = arith.muli %add3A_16, %mul3A_104 : i32
      %add3A_106 = arith.constant 5 : i32
      %add3A_107 = arith.addi %mul3A_105, %add3A_106 : i32
      %swap3A_108 = arith.index_cast %add3A_107 : i32 to index
      %swap3A_109 = memref.load %arg10[%swap3A_108] : memref<512xi32, #tpu.memory_space<smem>>
      memref.store %squeeze3A_103, %arg10[%swap3A_108] : memref<512xi32, #tpu.memory_space<smem>>
      %slice3A_110 = vector.extract_strided_slice %get3A_24 {offsets = [5], sizes = [1], strides = [1]} : vector<16xi32> to vector<1xi32>
      %squeeze3A_111 = vector.extract %slice3A_110[0] : i32 from vector<1xi32>
      %mul3A_112 = arith.constant 16 : i32
      %mul3A_113 = arith.muli %add3A_16, %mul3A_112 : i32
      %add3A_114 = arith.constant 5 : i32
      %add3A_115 = arith.addi %mul3A_113, %add3A_114 : i32
      %swap3A_116 = arith.index_cast %add3A_115 : i32 to index
      %swap3A_117 = memref.load %arg11[%swap3A_116] : memref<512xi32, #tpu.memory_space<smem>>
      memref.store %squeeze3A_111, %arg11[%swap3A_116] : memref<512xi32, #tpu.memory_space<smem>>
      %slice3A_118 = vector.extract_strided_slice %get3A_19 {offsets = [6], sizes = [1], strides = [1]} : vector<16xi32> to vector<1xi32>
      %squeeze3A_119 = vector.extract %slice3A_118[0] : i32 from vector<1xi32>
      %mul3A_120 = arith.constant 16 : i32
      %mul3A_121 = arith.muli %add3A_16, %mul3A_120 : i32
      %add3A_122 = arith.constant 6 : i32
      %add3A_123 = arith.addi %mul3A_121, %add3A_122 : i32
      %swap3A_124 = arith.index_cast %add3A_123 : i32 to index
      %swap3A_125 = memref.load %arg10[%swap3A_124] : memref<512xi32, #tpu.memory_space<smem>>
      memref.store %squeeze3A_119, %arg10[%swap3A_124] : memref<512xi32, #tpu.memory_space<smem>>
      %slice3A_126 = vector.extract_strided_slice %get3A_24 {offsets = [6], sizes = [1], strides = [1]} : vector<16xi32> to vector<1xi32>
      %squeeze3A_127 = vector.extract %slice3A_126[0] : i32 from vector<1xi32>
      %mul3A_128 = arith.constant 16 : i32
      %mul3A_129 = arith.muli %add3A_16, %mul3A_128 : i32
      %add3A_130 = arith.constant 6 : i32
      %add3A_131 = arith.addi %mul3A_129, %add3A_130 : i32
      %swap3A_132 = arith.index_cast %add3A_131 : i32 to index
      %swap3A_133 = memref.load %arg11[%swap3A_132] : memref<512xi32, #tpu.memory_space<smem>>
      memref.store %squeeze3A_127, %arg11[%swap3A_132] : memref<512xi32, #tpu.memory_space<smem>>
      %slice3A_134 = vector.extract_strided_slice %get3A_19 {offsets = [7], sizes = [1], strides = [1]} : vector<16xi32> to vector<1xi32>
      %squeeze3A_135 = vector.extract %slice3A_134[0] : i32 from vector<1xi32>
      %mul3A_136 = arith.constant 16 : i32
      %mul3A_137 = arith.muli %add3A_16, %mul3A_136 : i32
      %add3A_138 = arith.constant 7 : i32
      %add3A_139 = arith.addi %mul3A_137, %add3A_138 : i32
      %swap3A_140 = arith.index_cast %add3A_139 : i32 to index
      %swap3A_141 = memref.load %arg10[%swap3A_140] : memref<512xi32, #tpu.memory_space<smem>>
      memref.store %squeeze3A_135, %arg10[%swap3A_140] : memref<512xi32, #tpu.memory_space<smem>>
      %slice3A_142 = vector.extract_strided_slice %get3A_24 {offsets = [7], sizes = [1], strides = [1]} : vector<16xi32> to vector<1xi32>
      %squeeze3A_143 = vector.extract %slice3A_142[0] : i32 from vector<1xi32>
      %mul3A_144 = arith.constant 16 : i32
      %mul3A_145 = arith.muli %add3A_16, %mul3A_144 : i32
      %add3A_146 = arith.constant 7 : i32
      %add3A_147 = arith.addi %mul3A_145, %add3A_146 : i32
      %swap3A_148 = arith.index_cast %add3A_147 : i32 to index
      %swap3A_149 = memref.load %arg11[%swap3A_148] : memref<512xi32, #tpu.memory_space<smem>>
      memref.store %squeeze3A_143, %arg11[%swap3A_148] : memref<512xi32, #tpu.memory_space<smem>>
      %slice3A_150 = vector.extract_strided_slice %get3A_19 {offsets = [8], sizes = [1], strides = [1]} : vector<16xi32> to vector<1xi32>
      %squeeze3A_151 = vector.extract %slice3A_150[0] : i32 from vector<1xi32>
      %mul3A_152 = arith.constant 16 : i32
      %mul3A_153 = arith.muli %add3A_16, %mul3A_152 : i32
      %add3A_154 = arith.constant 8 : i32
      %add3A_155 = arith.addi %mul3A_153, %add3A_154 : i32
      %swap3A_156 = arith.index_cast %add3A_155 : i32 to index
      %swap3A_157 = memref.load %arg10[%swap3A_156] : memref<512xi32, #tpu.memory_space<smem>>
      memref.store %squeeze3A_151, %arg10[%swap3A_156] : memref<512xi32, #tpu.memory_space<smem>>
      %slice3A_158 = vector.extract_strided_slice %get3A_24 {offsets = [8], sizes = [1], strides = [1]} : vector<16xi32> to vector<1xi32>
      %squeeze3A_159 = vector.extract %slice3A_158[0] : i32 from vector<1xi32>
      %mul3A_160 = arith.constant 16 : i32
      %mul3A_161 = arith.muli %add3A_16, %mul3A_160 : i32
      %add3A_162 = arith.constant 8 : i32
      %add3A_163 = arith.addi %mul3A_161, %add3A_162 : i32
      %swap3A_164 = arith.index_cast %add3A_163 : i32 to index
      %swap3A_165 = memref.load %arg11[%swap3A_164] : memref<512xi32, #tpu.memory_space<smem>>
      memref.store %squeeze3A_159, %arg11[%swap3A_164] : memref<512xi32, #tpu.memory_space<smem>>
      %slice3A_166 = vector.extract_strided_slice %get3A_19 {offsets = [9], sizes = [1], strides = [1]} : vector<16xi32> to vector<1xi32>
      %squeeze3A_167 = vector.extract %slice3A_166[0] : i32 from vector<1xi32>
      %mul3A_168 = arith.constant 16 : i32
      %mul3A_169 = arith.muli %add3A_16, %mul3A_168 : i32
      %add3A_170 = arith.constant 9 : i32
      %add3A_171 = arith.addi %mul3A_169, %add3A_170 : i32
      %swap3A_172 = arith.index_cast %add3A_171 : i32 to index
      %swap3A_173 = memref.load %arg10[%swap3A_172] : memref<512xi32, #tpu.memory_space<smem>>
      memref.store %squeeze3A_167, %arg10[%swap3A_172] : memref<512xi32, #tpu.memory_space<smem>>
      %slice3A_174 = vector.extract_strided_slice %get3A_24 {offsets = [9], sizes = [1], strides = [1]} : vector<16xi32> to vector<1xi32>
      %squeeze3A_175 = vector.extract %slice3A_174[0] : i32 from vector<1xi32>
      %mul3A_176 = arith.constant 16 : i32
      %mul3A_177 = arith.muli %add3A_16, %mul3A_176 : i32
      %add3A_178 = arith.constant 9 : i32
      %add3A_179 = arith.addi %mul3A_177, %add3A_178 : i32
      %swap3A_180 = arith.index_cast %add3A_179 : i32 to index
      %swap3A_181 = memref.load %arg11[%swap3A_180] : memref<512xi32, #tpu.memory_space<smem>>
      memref.store %squeeze3A_175, %arg11[%swap3A_180] : memref<512xi32, #tpu.memory_space<smem>>
      %slice3A_182 = vector.extract_strided_slice %get3A_19 {offsets = [10], sizes = [1], strides = [1]} : vector<16xi32> to vector<1xi32>
      %squeeze3A_183 = vector.extract %slice3A_182[0] : i32 from vector<1xi32>
      %mul3A_184 = arith.constant 16 : i32
      %mul3A_185 = arith.muli %add3A_16, %mul3A_184 : i32
      %add3A_186 = arith.constant 10 : i32
      %add3A_187 = arith.addi %mul3A_185, %add3A_186 : i32
      %swap3A_188 = arith.index_cast %add3A_187 : i32 to index
      %swap3A_189 = memref.load %arg10[%swap3A_188] : memref<512xi32, #tpu.memory_space<smem>>
      memref.store %squeeze3A_183, %arg10[%swap3A_188] : memref<512xi32, #tpu.memory_space<smem>>
      %slice3A_190 = vector.extract_strided_slice %get3A_24 {offsets = [10], sizes = [1], strides = [1]} : vector<16xi32> to vector<1xi32>
      %squeeze3A_191 = vector.extract %slice3A_190[0] : i32 from vector<1xi32>
      %mul3A_192 = arith.constant 16 : i32
      %mul3A_193 = arith.muli %add3A_16, %mul3A_192 : i32
      %add3A_194 = arith.constant 10 : i32
      %add3A_195 = arith.addi %mul3A_193, %add3A_194 : i32
      %swap3A_196 = arith.index_cast %add3A_195 : i32 to index
      %swap3A_197 = memref.load %arg11[%swap3A_196] : memref<512xi32, #tpu.memory_space<smem>>
      memref.store %squeeze3A_191, %arg11[%swap3A_196] : memref<512xi32, #tpu.memory_space<smem>>
      %slice3A_198 = vector.extract_strided_slice %get3A_19 {offsets = [11], sizes = [1], strides = [1]} : vector<16xi32> to vector<1xi32>
      %squeeze3A_199 = vector.extract %slice3A_198[0] : i32 from vector<1xi32>
      %mul3A_200 = arith.constant 16 : i32
      %mul3A_201 = arith.muli %add3A_16, %mul3A_200 : i32
      %add3A_202 = arith.constant 11 : i32
      %add3A_203 = arith.addi %mul3A_201, %add3A_202 : i32
      %swap3A_204 = arith.index_cast %add3A_203 : i32 to index
      %swap3A_205 = memref.load %arg10[%swap3A_204] : memref<512xi32, #tpu.memory_space<smem>>
      memref.store %squeeze3A_199, %arg10[%swap3A_204] : memref<512xi32, #tpu.memory_space<smem>>
      %slice3A_206 = vector.extract_strided_slice %get3A_24 {offsets = [11], sizes = [1], strides = [1]} : vector<16xi32> to vector<1xi32>
      %squeeze3A_207 = vector.extract %slice3A_206[0] : i32 from vector<1xi32>
      %mul3A_208 = arith.constant 16 : i32
      %mul3A_209 = arith.muli %add3A_16, %mul3A_208 : i32
      %add3A_210 = arith.constant 11 : i32
      %add3A_211 = arith.addi %mul3A_209, %add3A_210 : i32
      %swap3A_212 = arith.index_cast %add3A_211 : i32 to index
      %swap3A_213 = memref.load %arg11[%swap3A_212] : memref<512xi32, #tpu.memory_space<smem>>
      memref.store %squeeze3A_207, %arg11[%swap3A_212] : memref<512xi32, #tpu.memory_space<smem>>
      %slice3A_214 = vector.extract_strided_slice %get3A_19 {offsets = [12], sizes = [1], strides = [1]} : vector<16xi32> to vector<1xi32>
      %squeeze3A_215 = vector.extract %slice3A_214[0] : i32 from vector<1xi32>
      %mul3A_216 = arith.constant 16 : i32
      %mul3A_217 = arith.muli %add3A_16, %mul3A_216 : i32
      %add3A_218 = arith.constant 12 : i32
      %add3A_219 = arith.addi %mul3A_217, %add3A_218 : i32
      %swap3A_220 = arith.index_cast %add3A_219 : i32 to index
      %swap3A_221 = memref.load %arg10[%swap3A_220] : memref<512xi32, #tpu.memory_space<smem>>
      memref.store %squeeze3A_215, %arg10[%swap3A_220] : memref<512xi32, #tpu.memory_space<smem>>
      %slice3A_222 = vector.extract_strided_slice %get3A_24 {offsets = [12], sizes = [1], strides = [1]} : vector<16xi32> to vector<1xi32>
      %squeeze3A_223 = vector.extract %slice3A_222[0] : i32 from vector<1xi32>
      %mul3A_224 = arith.constant 16 : i32
      %mul3A_225 = arith.muli %add3A_16, %mul3A_224 : i32
      %add3A_226 = arith.constant 12 : i32
      %add3A_227 = arith.addi %mul3A_225, %add3A_226 : i32
      %swap3A_228 = arith.index_cast %add3A_227 : i32 to index
      %swap3A_229 = memref.load %arg11[%swap3A_228] : memref<512xi32, #tpu.memory_space<smem>>
      memref.store %squeeze3A_223, %arg11[%swap3A_228] : memref<512xi32, #tpu.memory_space<smem>>
      %slice3A_230 = vector.extract_strided_slice %get3A_19 {offsets = [13], sizes = [1], strides = [1]} : vector<16xi32> to vector<1xi32>
      %squeeze3A_231 = vector.extract %slice3A_230[0] : i32 from vector<1xi32>
      %mul3A_232 = arith.constant 16 : i32
      %mul3A_233 = arith.muli %add3A_16, %mul3A_232 : i32
      %add3A_234 = arith.constant 13 : i32
      %add3A_235 = arith.addi %mul3A_233, %add3A_234 : i32
      %swap3A_236 = arith.index_cast %add3A_235 : i32 to index
      %swap3A_237 = memref.load %arg10[%swap3A_236] : memref<512xi32, #tpu.memory_space<smem>>
      memref.store %squeeze3A_231, %arg10[%swap3A_236] : memref<512xi32, #tpu.memory_space<smem>>
      %slice3A_238 = vector.extract_strided_slice %get3A_24 {offsets = [13], sizes = [1], strides = [1]} : vector<16xi32> to vector<1xi32>
      %squeeze3A_239 = vector.extract %slice3A_238[0] : i32 from vector<1xi32>
      %mul3A_240 = arith.constant 16 : i32
      %mul3A_241 = arith.muli %add3A_16, %mul3A_240 : i32
      %add3A_242 = arith.constant 13 : i32
      %add3A_243 = arith.addi %mul3A_241, %add3A_242 : i32
      %swap3A_244 = arith.index_cast %add3A_243 : i32 to index
      %swap3A_245 = memref.load %arg11[%swap3A_244] : memref<512xi32, #tpu.memory_space<smem>>
      memref.store %squeeze3A_239, %arg11[%swap3A_244] : memref<512xi32, #tpu.memory_space<smem>>
      %slice3A_246 = vector.extract_strided_slice %get3A_19 {offsets = [14], sizes = [1], strides = [1]} : vector<16xi32> to vector<1xi32>
      %squeeze3A_247 = vector.extract %slice3A_246[0] : i32 from vector<1xi32>
      %mul3A_248 = arith.constant 16 : i32
      %mul3A_249 = arith.muli %add3A_16, %mul3A_248 : i32
      %add3A_250 = arith.constant 14 : i32
      %add3A_251 = arith.addi %mul3A_249, %add3A_250 : i32
      %swap3A_252 = arith.index_cast %add3A_251 : i32 to index
      %swap3A_253 = memref.load %arg10[%swap3A_252] : memref<512xi32, #tpu.memory_space<smem>>
      memref.store %squeeze3A_247, %arg10[%swap3A_252] : memref<512xi32, #tpu.memory_space<smem>>
      %slice3A_254 = vector.extract_strided_slice %get3A_24 {offsets = [14], sizes = [1], strides = [1]} : vector<16xi32> to vector<1xi32>
      %squeeze3A_255 = vector.extract %slice3A_254[0] : i32 from vector<1xi32>
      %mul3A_256 = arith.constant 16 : i32
      %mul3A_257 = arith.muli %add3A_16, %mul3A_256 : i32
      %add3A_258 = arith.constant 14 : i32
      %add3A_259 = arith.addi %mul3A_257, %add3A_258 : i32
      %swap3A_260 = arith.index_cast %add3A_259 : i32 to index
      %swap3A_261 = memref.load %arg11[%swap3A_260] : memref<512xi32, #tpu.memory_space<smem>>
      memref.store %squeeze3A_255, %arg11[%swap3A_260] : memref<512xi32, #tpu.memory_space<smem>>
      %slice3A_262 = vector.extract_strided_slice %get3A_19 {offsets = [15], sizes = [1], strides = [1]} : vector<16xi32> to vector<1xi32>
      %squeeze3A_263 = vector.extract %slice3A_262[0] : i32 from vector<1xi32>
      %mul3A_264 = arith.constant 16 : i32
      %mul3A_265 = arith.muli %add3A_16, %mul3A_264 : i32
      %add3A_266 = arith.constant 15 : i32
      %add3A_267 = arith.addi %mul3A_265, %add3A_266 : i32
      %swap3A_268 = arith.index_cast %add3A_267 : i32 to index
      %swap3A_269 = memref.load %arg10[%swap3A_268] : memref<512xi32, #tpu.memory_space<smem>>
      memref.store %squeeze3A_263, %arg10[%swap3A_268] : memref<512xi32, #tpu.memory_space<smem>>
      %slice3A_270 = vector.extract_strided_slice %get3A_24 {offsets = [15], sizes = [1], strides = [1]} : vector<16xi32> to vector<1xi32>
      %squeeze3A_271 = vector.extract %slice3A_270[0] : i32 from vector<1xi32>
      %mul3A_272 = arith.constant 16 : i32
      %mul3A_273 = arith.muli %add3A_16, %mul3A_272 : i32
      %add3A_274 = arith.constant 15 : i32
      %add3A_275 = arith.addi %mul3A_273, %add3A_274 : i32
      %swap3A_276 = arith.index_cast %add3A_275 : i32 to index
      %swap3A_277 = memref.load %arg11[%swap3A_276] : memref<512xi32, #tpu.memory_space<smem>>
      memref.store %squeeze3A_271, %arg11[%swap3A_276] : memref<512xi32, #tpu.memory_space<smem>>
    }
    %scan3A_6 = arith.constant 32 : i32
    %scan3A_7 = arith.constant 0 : i32
    %scan3A_8 = arith.constant 4 : i32
    %scan3A_9 = arith.addi %scan3A_7, %scan3A_8 : i32
    %scan3A_10 = arith.constant 1 : i32
    scf.for %scan3A_12 = %scan3A_7 to %scan3A_9 step %scan3A_10  : i32 {
      %mul3A_13 = arith.constant 1 : i32
      %mul3A_14 = arith.muli %scan3A_12, %mul3A_13 : i32
      %add3A_15 = arith.constant 0 : i32
      %add3A_16 = arith.addi %add3A_15, %mul3A_14 : i32
      %mul3A_17 = arith.constant 128 : i32
      %mul3A_18 = arith.muli %add3A_16, %mul3A_17 : i32
      %multiple_of3A = tpu.assume_multiple %mul3A_18, 128 : i32
      %add3A_19 = arith.addi %mul3A_2, %multiple_of3A : i32
      %mul3A_20 = arith.constant 64 : i32
      %mul3A_21 = arith.muli %add3A_19, %mul3A_20 : i32
      %dma_start3A = tpu.memref_slice %arg7[%mul3A_21] : memref<1048576xf32, #tpu.memory_space<hbm>> -> memref<8192xf32, #tpu.memory_space<hbm>>
      %dma_start3A_22 = tpu.memref_slice %arg7[%mul3A_21] : memref<1048576xf32, #tpu.memory_space<hbm>> -> memref<8192xf32, #tpu.memory_space<hbm>>
      tpu.enqueue_dma source(%dma_start3A_22 : memref<8192xf32, #tpu.memory_space<hbm>>) target(%arg17 : memref<8192xf32, #tpu.memory_space<vmem>>) target_semaphore(%arg20 : memref<!tpu.dma_semaphore, #tpu.memory_space<semaphore_mem>>)
      %scan3A_23 = arith.constant 0 : i32
      %scan3A_24 = arith.constant 128 : i32
      %scan3A_25 = arith.addi %scan3A_23, %scan3A_24 : i32
      %scan3A_26 = arith.constant 1 : i32
      scf.for %scan3A_54 = %scan3A_23 to %scan3A_25 step %scan3A_26  : i32 {
        %mul3A_55 = arith.constant 1 : i32
        %mul3A_56 = arith.muli %scan3A_54, %mul3A_55 : i32
        %add3A_57 = arith.constant 0 : i32
        %add3A_58 = arith.addi %add3A_57, %mul3A_56 : i32
        %add3A_59 = arith.addi %multiple_of3A, %add3A_58 : i32
        %get3A = arith.index_cast %add3A_59 : i32 to index
        %get3A_60 = memref.load %arg10[%get3A] : memref<512xi32, #tpu.memory_space<smem>>
        %add3A_61 = arith.addi %multiple_of3A, %add3A_58 : i32
        %get3A_62 = arith.index_cast %add3A_61 : i32 to index
        %get3A_63 = memref.load %arg11[%get3A_62] : memref<512xi32, #tpu.memory_space<smem>>
        %dma_start3A_64 = arith.constant 0 : i32
        %dma_start3A_65 = tpu.memref_slice %arg14[%add3A_58, %dma_start3A_64] : memref<128x64xf32, #tpu.memory_space<vmem>> -> memref<1x64xf32, #tpu.memory_space<vmem>>
        %dma_start3A_66 = arith.constant 0 : i32
        %dma_start3A_67 = tpu.memref_slice %arg4[%get3A_60, %dma_start3A_66] : memref<1000001x64xf32, #tpu.memory_space<hbm>> -> memref<1x64xf32, #tpu.memory_space<hbm>>
        %dma_start3A_68 = arith.constant 0 : i32
        %dma_start3A_69 = tpu.memref_slice %arg14[%add3A_58, %dma_start3A_68] : memref<128x64xf32, #tpu.memory_space<vmem>> -> memref<1x64xf32, #tpu.memory_space<vmem>>
        %dma_start3A_70 = arith.constant 0 : i32
        %dma_start3A_71 = tpu.memref_slice %arg4[%get3A_60, %dma_start3A_70] : memref<1000001x64xf32, #tpu.memory_space<hbm>> -> memref<1x64xf32, #tpu.memory_space<hbm>>
        tpu.enqueue_dma source(%dma_start3A_71 : memref<1x64xf32, #tpu.memory_space<hbm>>) target(%dma_start3A_69 : memref<1x64xf32, #tpu.memory_space<vmem>>) target_semaphore(%arg20 : memref<!tpu.dma_semaphore, #tpu.memory_space<semaphore_mem>>)
        %dma_start3A_72 = arith.constant 0 : i32
        %dma_start3A_73 = tpu.memref_slice %arg15[%add3A_58, %dma_start3A_72] : memref<128x64xf32, #tpu.memory_space<vmem>> -> memref<1x64xf32, #tpu.memory_space<vmem>>
        %dma_start3A_74 = arith.constant 0 : i32
        %dma_start3A_75 = tpu.memref_slice %arg5[%get3A_63, %dma_start3A_74] : memref<1000001x64xf32, #tpu.memory_space<hbm>> -> memref<1x64xf32, #tpu.memory_space<hbm>>
        %dma_start3A_76 = arith.constant 0 : i32
        %dma_start3A_77 = tpu.memref_slice %arg15[%add3A_58, %dma_start3A_76] : memref<128x64xf32, #tpu.memory_space<vmem>> -> memref<1x64xf32, #tpu.memory_space<vmem>>
        %dma_start3A_78 = arith.constant 0 : i32
        %dma_start3A_79 = tpu.memref_slice %arg5[%get3A_63, %dma_start3A_78] : memref<1000001x64xf32, #tpu.memory_space<hbm>> -> memref<1x64xf32, #tpu.memory_space<hbm>>
        tpu.enqueue_dma source(%dma_start3A_79 : memref<1x64xf32, #tpu.memory_space<hbm>>) target(%dma_start3A_77 : memref<1x64xf32, #tpu.memory_space<vmem>>) target_semaphore(%arg20 : memref<!tpu.dma_semaphore, #tpu.memory_space<semaphore_mem>>)
        %dma_start3A_80 = arith.constant 0 : i32
        %dma_start3A_81 = tpu.memref_slice %arg16[%add3A_58, %dma_start3A_80] : memref<128x64xf32, #tpu.memory_space<vmem>> -> memref<1x64xf32, #tpu.memory_space<vmem>>
        %dma_start3A_82 = arith.constant 0 : i32
        %dma_start3A_83 = tpu.memref_slice %arg6[%get3A_63, %dma_start3A_82] : memref<1000001x64xf32, #tpu.memory_space<hbm>> -> memref<1x64xf32, #tpu.memory_space<hbm>>
        %dma_start3A_84 = arith.constant 0 : i32
        %dma_start3A_85 = tpu.memref_slice %arg16[%add3A_58, %dma_start3A_84] : memref<128x64xf32, #tpu.memory_space<vmem>> -> memref<1x64xf32, #tpu.memory_space<vmem>>
        %dma_start3A_86 = arith.constant 0 : i32
        %dma_start3A_87 = tpu.memref_slice %arg6[%get3A_63, %dma_start3A_86] : memref<1000001x64xf32, #tpu.memory_space<hbm>> -> memref<1x64xf32, #tpu.memory_space<hbm>>
        tpu.enqueue_dma source(%dma_start3A_87 : memref<1x64xf32, #tpu.memory_space<hbm>>) target(%dma_start3A_85 : memref<1x64xf32, #tpu.memory_space<vmem>>) target_semaphore(%arg20 : memref<!tpu.dma_semaphore, #tpu.memory_space<semaphore_mem>>)
      }
      %scan3A_27 = arith.constant 128 : i32
      %dma_wait3A = arith.constant 0 : i32
      %dma_wait3A_28 = tpu.memref_slice %arg7[%dma_wait3A] : memref<1048576xf32, #tpu.memory_space<hbm>> -> memref<8192xf32, #tpu.memory_space<hbm>>
      %dma_wait3A_29 = arith.constant 0 : i32
      %dma_wait3A_30 = tpu.memref_slice %arg7[%dma_wait3A_29] : memref<1048576xf32, #tpu.memory_space<hbm>> -> memref<8192xf32, #tpu.memory_space<hbm>>
      tpu.wait_dma2 semaphore(%arg20 : memref<!tpu.dma_semaphore, #tpu.memory_space<semaphore_mem>>) src(%dma_wait3A_30 : memref<8192xf32, #tpu.memory_space<hbm>>) dst(%arg17 : memref<8192xf32, #tpu.memory_space<vmem>>)
      %dma_wait3A_31 = arith.constant 0 : i32
      %dma_wait3A_32 = arith.constant 0 : i32
      %dma_wait3A_33 = tpu.memref_slice %arg4[%dma_wait3A_31, %dma_wait3A_32] : memref<1000001x64xf32, #tpu.memory_space<hbm>> -> memref<128x64xf32, #tpu.memory_space<hbm>>
      %dma_wait3A_34 = arith.constant 0 : i32
      %dma_wait3A_35 = arith.constant 0 : i32
      %dma_wait3A_36 = tpu.memref_slice %arg4[%dma_wait3A_34, %dma_wait3A_35] : memref<1000001x64xf32, #tpu.memory_space<hbm>> -> memref<128x64xf32, #tpu.memory_space<hbm>>
      tpu.wait_dma2 semaphore(%arg20 : memref<!tpu.dma_semaphore, #tpu.memory_space<semaphore_mem>>) src(%dma_wait3A_36 : memref<128x64xf32, #tpu.memory_space<hbm>>) dst(%arg14 : memref<128x64xf32, #tpu.memory_space<vmem>>)
      %dma_wait3A_37 = arith.constant 0 : i32
      %dma_wait3A_38 = arith.constant 0 : i32
      %dma_wait3A_39 = tpu.memref_slice %arg4[%dma_wait3A_37, %dma_wait3A_38] : memref<1000001x64xf32, #tpu.memory_space<hbm>> -> memref<128x64xf32, #tpu.memory_space<hbm>>
      %dma_wait3A_40 = arith.constant 0 : i32
      %dma_wait3A_41 = arith.constant 0 : i32
      %dma_wait3A_42 = tpu.memref_slice %arg4[%dma_wait3A_40, %dma_wait3A_41] : memref<1000001x64xf32, #tpu.memory_space<hbm>> -> memref<128x64xf32, #tpu.memory_space<hbm>>
      tpu.wait_dma2 semaphore(%arg20 : memref<!tpu.dma_semaphore, #tpu.memory_space<semaphore_mem>>) src(%dma_wait3A_42 : memref<128x64xf32, #tpu.memory_space<hbm>>) dst(%arg15 : memref<128x64xf32, #tpu.memory_space<vmem>>)
      %dma_wait3A_43 = arith.constant 0 : i32
      %dma_wait3A_44 = arith.constant 0 : i32
      %dma_wait3A_45 = tpu.memref_slice %arg4[%dma_wait3A_43, %dma_wait3A_44] : memref<1000001x64xf32, #tpu.memory_space<hbm>> -> memref<128x64xf32, #tpu.memory_space<hbm>>
      %dma_wait3A_46 = arith.constant 0 : i32
      %dma_wait3A_47 = arith.constant 0 : i32
      %dma_wait3A_48 = tpu.memref_slice %arg4[%dma_wait3A_46, %dma_wait3A_47] : memref<1000001x64xf32, #tpu.memory_space<hbm>> -> memref<128x64xf32, #tpu.memory_space<hbm>>
      tpu.wait_dma2 semaphore(%arg20 : memref<!tpu.dma_semaphore, #tpu.memory_space<semaphore_mem>>) src(%dma_wait3A_48 : memref<128x64xf32, #tpu.memory_space<hbm>>) dst(%arg16 : memref<128x64xf32, #tpu.memory_space<vmem>>)
      %scan3A_49 = arith.constant 0 : i32
      %scan3A_50 = arith.constant 8 : i32
      %scan3A_51 = arith.addi %scan3A_49, %scan3A_50 : i32
      %scan3A_52 = arith.constant 1 : i32
      scf.for %scan3A_54 = %scan3A_49 to %scan3A_51 step %scan3A_52  : i32 {
        %mul3A_55 = arith.constant 1 : i32
        %mul3A_56 = arith.muli %scan3A_54, %mul3A_55 : i32
        %add3A_57 = arith.constant 0 : i32
        %add3A_58 = arith.addi %add3A_57, %mul3A_56 : i32
        %iota3A = tpu.iota {dimensions = array<i32: 0>} : vector<16xi32>
        %mul3A_59 = arith.constant 16 : i32
        %mul3A_60 = arith.muli %add3A_58, %mul3A_59 : i32
        %add3A_61 = arith.addi %multiple_of3A, %mul3A_60 : i32
        %multiple_of3A_62 = tpu.assume_multiple %add3A_61, 16 : i32
        %get3A = arith.index_cast %multiple_of3A_62 : i32 to index
        %get3A_63 = tpu.vector_load %arg18[%get3A] {strides = array<i32>} : memref<512xf32, #tpu.memory_space<vmem>>, vector<16xf32>,
        %max3A = arith.constant 1.000000e+00 : f32
        %max3A_64 = vector.broadcast %max3A : f32 to vector<16xf32>
        %max3A_65 = arith.maximumf %get3A_63, %max3A_64 : vector<16xf32>
        %div3A = arith.constant 1.000000e+00 : f32
        %div3A_66 = vector.broadcast %div3A : f32 to vector<16xf32>
        %div3A_67 = arith.divf %div3A_66, %max3A_65 : vector<16xf32>
        %broadcast_in_dim3A = arith.constant 0.000000e+00 : f32
        %broadcast_in_dim3A_68 = vector.broadcast %broadcast_in_dim3A : f32 to vector<16xf32>
        %scan3A_69 = arith.constant 0 : i32
        %scan3A_70 = arith.constant 16 : i32
        %scan3A_71 = arith.addi %scan3A_69, %scan3A_70 : i32
        %scan3A_72 = arith.constant 1 : i32
        %scan3A_73:2 = scf.for %scan3A_82 = %scan3A_69 to %scan3A_71 step %scan3A_72 iter_args(%scan3A_83 = %broadcast_in_dim3A_68, %scan3A_84 = %broadcast_in_dim3A_68) -> (vector<16xf32>, vector<16xf32>)  : i32 {
          %mul3A_85 = arith.constant 1 : i32
          %mul3A_86 = arith.muli %scan3A_82, %mul3A_85 : i32
          %add3A_87 = arith.constant 0 : i32
          %add3A_88 = arith.addi %add3A_87, %mul3A_86 : i32
          %mul3A_89 = arith.constant 16 : i32
          %mul3A_90 = arith.muli %add3A_58, %mul3A_89 : i32
          %add3A_91 = arith.addi %mul3A_90, %add3A_88 : i32
          %get3A_92 = arith.index_cast %add3A_91 : i32 to index
          %get3A_93 = arith.constant 0 : index
          %get3A_94 = tpu.vector_load %arg14[%get3A_92, %get3A_93] {strides = array<i32>} : memref<128x64xf32, #tpu.memory_space<vmem>>, vector<16xf32>,
          %get3A_95 = arith.index_cast %add3A_91 : i32 to index
          %get3A_96 = arith.constant 0 : index
          %get3A_97 = tpu.vector_load %arg15[%get3A_95, %get3A_96] {strides = array<i32>} : memref<128x64xf32, #tpu.memory_space<vmem>>, vector<16xf32>,
          %mul3A_98 = arith.mulf %get3A_94, %get3A_97 : vector<16xf32>
          %add3A_99 = arith.addf %broadcast_in_dim3A_68, %mul3A_98 : vector<16xf32>
          %get3A_100 = arith.index_cast %add3A_91 : i32 to index
          %get3A_101 = arith.constant 0 : index
          %get3A_102 = tpu.vector_load %arg16[%get3A_100, %get3A_101] {strides = array<i32>} : memref<128x64xf32, #tpu.memory_space<vmem>>, vector<16xf32>,
          %mul3A_103 = arith.constant 64 : i32
          %mul3A_104 = arith.muli %add3A_91, %mul3A_103 : i32
          %add3A_105 = arith.constant 0 : i32
          %add3A_106 = arith.addi %mul3A_104, %add3A_105 : i32
          %get3A_107 = arith.index_cast %add3A_106 : i32 to index
          %get3A_108 = tpu.vector_load %arg17[%get3A_107] {strides = array<i32>} : memref<8192xf32, #tpu.memory_space<vmem>>, vector<16xf32>,
          %mul3A_109 = arith.mulf %get3A_102, %get3A_108 : vector<16xf32>
          %add3A_110 = arith.addf %broadcast_in_dim3A_68, %mul3A_109 : vector<16xf32>
          %get3A_111 = arith.index_cast %add3A_91 : i32 to index
          %get3A_112 = arith.constant 16 : index
          %get3A_113 = tpu.vector_load %arg14[%get3A_111, %get3A_112] {strides = array<i32>} : memref<128x64xf32, #tpu.memory_space<vmem>>, vector<16xf32>,
          %get3A_114 = arith.index_cast %add3A_91 : i32 to index
          %get3A_115 = arith.constant 16 : index
          %get3A_116 = tpu.vector_load %arg15[%get3A_114, %get3A_115] {strides = array<i32>} : memref<128x64xf32, #tpu.memory_space<vmem>>, vector<16xf32>,
          %mul3A_117 = arith.mulf %get3A_113, %get3A_116 : vector<16xf32>
          %add3A_118 = arith.addf %add3A_99, %mul3A_117 : vector<16xf32>
          %get3A_119 = arith.index_cast %add3A_91 : i32 to index
          %get3A_120 = arith.constant 16 : index
          %get3A_121 = tpu.vector_load %arg16[%get3A_119, %get3A_120] {strides = array<i32>} : memref<128x64xf32, #tpu.memory_space<vmem>>, vector<16xf32>,
          %mul3A_122 = arith.constant 64 : i32
          %mul3A_123 = arith.muli %add3A_91, %mul3A_122 : i32
          %add3A_124 = arith.constant 16 : i32
          %add3A_125 = arith.addi %mul3A_123, %add3A_124 : i32
          %get3A_126 = arith.index_cast %add3A_125 : i32 to index
          %get3A_127 = tpu.vector_load %arg17[%get3A_126] {strides = array<i32>} : memref<8192xf32, #tpu.memory_space<vmem>>, vector<16xf32>,
          %mul3A_128 = arith.mulf %get3A_121, %get3A_127 : vector<16xf32>
          %add3A_129 = arith.addf %add3A_110, %mul3A_128 : vector<16xf32>
          %get3A_130 = arith.index_cast %add3A_91 : i32 to index
          %get3A_131 = arith.constant 32 : index
          %get3A_132 = tpu.vector_load %arg14[%get3A_130, %get3A_131] {strides = array<i32>} : memref<128x64xf32, #tpu.memory_space<vmem>>, vector<16xf32>,
          %get3A_133 = arith.index_cast %add3A_91 : i32 to index
          %get3A_134 = arith.constant 32 : index
          %get3A_135 = tpu.vector_load %arg15[%get3A_133, %get3A_134] {strides = array<i32>} : memref<128x64xf32, #tpu.memory_space<vmem>>, vector<16xf32>,
          %mul3A_136 = arith.mulf %get3A_132, %get3A_135 : vector<16xf32>
          %add3A_137 = arith.addf %add3A_118, %mul3A_136 : vector<16xf32>
          %get3A_138 = arith.index_cast %add3A_91 : i32 to index
          %get3A_139 = arith.constant 32 : index
          %get3A_140 = tpu.vector_load %arg16[%get3A_138, %get3A_139] {strides = array<i32>} : memref<128x64xf32, #tpu.memory_space<vmem>>, vector<16xf32>,
          %mul3A_141 = arith.constant 64 : i32
          %mul3A_142 = arith.muli %add3A_91, %mul3A_141 : i32
          %add3A_143 = arith.constant 32 : i32
          %add3A_144 = arith.addi %mul3A_142, %add3A_143 : i32
          %get3A_145 = arith.index_cast %add3A_144 : i32 to index
          %get3A_146 = tpu.vector_load %arg17[%get3A_145] {strides = array<i32>} : memref<8192xf32, #tpu.memory_space<vmem>>, vector<16xf32>,
          %mul3A_147 = arith.mulf %get3A_140, %get3A_146 : vector<16xf32>
          %add3A_148 = arith.addf %add3A_129, %mul3A_147 : vector<16xf32>
          %get3A_149 = arith.index_cast %add3A_91 : i32 to index
          %get3A_150 = arith.constant 48 : index
          %get3A_151 = tpu.vector_load %arg14[%get3A_149, %get3A_150] {strides = array<i32>} : memref<128x64xf32, #tpu.memory_space<vmem>>, vector<16xf32>,
          %get3A_152 = arith.index_cast %add3A_91 : i32 to index
          %get3A_153 = arith.constant 48 : index
          %get3A_154 = tpu.vector_load %arg15[%get3A_152, %get3A_153] {strides = array<i32>} : memref<128x64xf32, #tpu.memory_space<vmem>>, vector<16xf32>,
          %mul3A_155 = arith.mulf %get3A_151, %get3A_154 : vector<16xf32>
          %add3A_156 = arith.addf %add3A_137, %mul3A_155 : vector<16xf32>
          %get3A_157 = arith.index_cast %add3A_91 : i32 to index
          %get3A_158 = arith.constant 48 : index
          %get3A_159 = tpu.vector_load %arg16[%get3A_157, %get3A_158] {strides = array<i32>} : memref<128x64xf32, #tpu.memory_space<vmem>>, vector<16xf32>,
          %mul3A_160 = arith.constant 64 : i32
          %mul3A_161 = arith.muli %add3A_91, %mul3A_160 : i32
          %add3A_162 = arith.constant 48 : i32
          %add3A_163 = arith.addi %mul3A_161, %add3A_162 : i32
          %get3A_164 = arith.index_cast %add3A_163 : i32 to index
          %get3A_165 = tpu.vector_load %arg17[%get3A_164] {strides = array<i32>} : memref<8192xf32, #tpu.memory_space<vmem>>, vector<16xf32>,
          %mul3A_166 = arith.mulf %get3A_159, %get3A_165 : vector<16xf32>
          %add3A_167 = arith.addf %add3A_148, %mul3A_166 : vector<16xf32>
          %eq3A = vector.broadcast %add3A_88 : i32 to vector<16xi32>
          %eq3A_168 = arith.cmpi eq, %iota3A, %eq3A : vector<16xi32>
          %jit3A = arith.constant 1.000000e+00 : f32
          %jit3A_169 = arith.constant 0.000000e+00 : f32
          %broadcast_in_dim3A_170 = vector.broadcast %jit3A : f32 to vector<16xf32>
          %broadcast_in_dim3A_171 = vector.broadcast %jit3A_169 : f32 to vector<16xf32>
          %select_n3A = arith.select %eq3A_168, %broadcast_in_dim3A_170, %broadcast_in_dim3A_171 : vector<16xi1>, vector<16xf32>
          %reduce_sum3A = arith.constant true
          %reduce_sum3A_172 = vector.broadcast %reduce_sum3A : i1 to vector<16xi1>
          %reduce_sum3A_173 = tpu.scan <sum>, %add3A_156 masked %reduce_sum3A_172 : vector<16xf32>, vector<16xi1> -> vector<16xf32>
          %reduce_sum3A_174 = vector.extract %reduce_sum3A_173[15] : f32 from vector<16xf32>
          %mul3A_175 = vector.broadcast %reduce_sum3A_174 : f32 to vector<16xf32>
          %mul3A_176 = arith.mulf %mul3A_175, %select_n3A : vector<16xf32>
          %add3A_177 = arith.addf %scan3A_83, %mul3A_176 : vector<16xf32>
          %reduce_sum3A_178 = arith.constant true
          %reduce_sum3A_179 = vector.broadcast %reduce_sum3A_178 : i1 to vector<16xi1>
          %reduce_sum3A_180 = tpu.scan <sum>, %add3A_167 masked %reduce_sum3A_179 : vector<16xf32>, vector<16xi1> -> vector<16xf32>
          %reduce_sum3A_181 = vector.extract %reduce_sum3A_180[15] : f32 from vector<16xf32>
          %mul3A_182 = vector.broadcast %reduce_sum3A_181 : f32 to vector<16xf32>
          %mul3A_183 = arith.mulf %mul3A_182, %select_n3A : vector<16xf32>
          %add3A_184 = arith.addf %scan3A_84, %mul3A_183 : vector<16xf32>
          scf.yield %add3A_177, %add3A_184 : vector<16xf32>, vector<16xf32>
        }
        %scan3A_74 = arith.constant 16 : i32
        %mul3A_75 = arith.mulf %scan3A_73#1, %div3A_67 : vector<16xf32>
        %add3A_76 = arith.addf %scan3A_73#0, %mul3A_75 : vector<16xf32>
        %mul3A_77 = arith.constant 16 : i32
        %mul3A_78 = arith.muli %add3A_58, %mul3A_77 : i32
        %add3A_79 = arith.addi %multiple_of3A, %mul3A_78 : i32
        %multiple_of3A_80 = tpu.assume_multiple %add3A_79, 16 : i32
        %swap3A = arith.index_cast %multiple_of3A_80 : i32 to index
        %swap3A_81 = tpu.vector_load %arg19[%swap3A] {strides = array<i32>} : memref<512xf32, #tpu.memory_space<vmem>>, vector<16xf32>,
        tpu.vector_store %arg19[%swap3A], %add3A_76 {strides = array<i32>} : memref<512xf32, #tpu.memory_space<vmem>>, vector<16xf32>,
      }
      %scan3A_53 = arith.constant 8 : i32
    }
    %scan3A_11 = arith.constant 4 : i32
    "tpu.region"() ({
      %run_scoped3A = tpu.sem_alloc : memref<!tpu.dma_semaphore, #tpu.memory_space<semaphore_mem>>
      %dma_start3A = tpu.memref_slice %arg9[%mul3A_2] : memref<16384xf32, #tpu.memory_space<hbm>> -> memref<512xf32, #tpu.memory_space<hbm>>
      %dma_start3A_12 = tpu.memref_slice %arg9[%mul3A_2] : memref<16384xf32, #tpu.memory_space<hbm>> -> memref<512xf32, #tpu.memory_space<hbm>>
      tpu.enqueue_dma source(%arg19 : memref<512xf32, #tpu.memory_space<vmem>>) target(%dma_start3A_12 : memref<512xf32, #tpu.memory_space<hbm>>) target_semaphore(%run_scoped3A : memref<!tpu.dma_semaphore, #tpu.memory_space<semaphore_mem>>)
      %dma_wait3A = tpu.memref_slice %arg9[%mul3A_2] : memref<16384xf32, #tpu.memory_space<hbm>> -> memref<512xf32, #tpu.memory_space<hbm>>
      %dma_wait3A_13 = tpu.memref_slice %arg9[%mul3A_2] : memref<16384xf32, #tpu.memory_space<hbm>> -> memref<512xf32, #tpu.memory_space<hbm>>
      tpu.wait_dma2 semaphore(%run_scoped3A : memref<!tpu.dma_semaphore, #tpu.memory_space<semaphore_mem>>) src(%arg19 : memref<512xf32, #tpu.memory_space<vmem>>) dst(%dma_wait3A_13 : memref<512xf32, #tpu.memory_space<hbm>>)
      tpu.yield
    }) : () -> ()
    return
  }
}

#map = affine_map<(d0, d1) -> (0, 0)>
#map1 = affine_map<(d0, d1) -> (0)>
module attributes {stable_mosaic.version = 14 : i64} {
  func.func @_ctx_body(%arg0: i32, %arg1: i32, %arg2: memref<50x16384xi32, #tpu.memory_space<hbm>>, %arg3: memref<1000001x64xf32, #tpu.memory_space<hbm>>, %arg4: memref<1048576xf32, #tpu.memory_space<hbm>>, %arg5: memref<16384xf32, #tpu.memory_space<hbm>>, %arg6: memref<50x512xi32, #tpu.memory_space<vmem>>, %arg7: memref<128x64xf32, #tpu.memory_space<vmem>>, %arg8: memref<32768xf32, #tpu.memory_space<vmem>>, %arg9: memref<512xf32, #tpu.memory_space<vmem>>, %arg10: memref<!tpu.dma_semaphore, #tpu.memory_space<semaphore_mem>>) attributes {dimension_semantics = [#tpu.dimension_semantics<core_parallel>, #tpu.dimension_semantics<subcore_parallel>], iteration_bounds = array<i64: 2, 16>, scalar_prefetch = 0 : i64, scratch_operands = 5 : i64, tpu.core_type = #tpu.core_type<sc_vector_subcore>, window_params = [{transform_indices = #map}, {transform_indices = #map}, {transform_indices = #map1}, {transform_indices = #map1}]} {
    %mul3A = arith.constant 2 : i32
    %mul3A_0 = arith.muli %arg1, %mul3A : i32
    %add3A = arith.addi %mul3A_0, %arg0 : i32
    %mul3A_1 = arith.constant 512 : i32
    %mul3A_2 = arith.muli %add3A, %mul3A_1 : i32
    "tpu.region"() ({
      %run_scoped3A = tpu.sem_alloc : memref<!tpu.dma_semaphore, #tpu.memory_space<semaphore_mem>>
      %dma_start3A = arith.constant 0 : i32
      %dma_start3A_9 = tpu.memref_slice %arg2[%dma_start3A, %mul3A_2] : memref<50x16384xi32, #tpu.memory_space<hbm>> -> memref<50x512xi32, #tpu.memory_space<hbm>>
      %dma_start3A_10 = arith.constant 0 : i32
      %dma_start3A_11 = tpu.memref_slice %arg2[%dma_start3A_10, %mul3A_2] : memref<50x16384xi32, #tpu.memory_space<hbm>> -> memref<50x512xi32, #tpu.memory_space<hbm>>
      tpu.enqueue_dma source(%dma_start3A_11 : memref<50x512xi32, #tpu.memory_space<hbm>>) target(%arg6 : memref<50x512xi32, #tpu.memory_space<vmem>>) target_semaphore(%run_scoped3A : memref<!tpu.dma_semaphore, #tpu.memory_space<semaphore_mem>>)
      %dma_wait3A = arith.constant 0 : i32
      %dma_wait3A_12 = tpu.memref_slice %arg2[%dma_wait3A, %mul3A_2] : memref<50x16384xi32, #tpu.memory_space<hbm>> -> memref<50x512xi32, #tpu.memory_space<hbm>>
      %dma_wait3A_13 = arith.constant 0 : i32
      %dma_wait3A_14 = tpu.memref_slice %arg2[%dma_wait3A_13, %mul3A_2] : memref<50x16384xi32, #tpu.memory_space<hbm>> -> memref<50x512xi32, #tpu.memory_space<hbm>>
      tpu.wait_dma2 semaphore(%run_scoped3A : memref<!tpu.dma_semaphore, #tpu.memory_space<semaphore_mem>>) src(%dma_wait3A_14 : memref<50x512xi32, #tpu.memory_space<hbm>>) dst(%arg6 : memref<50x512xi32, #tpu.memory_space<vmem>>)
      tpu.yield
    }) : () -> ()
    %scan3A = arith.constant 0 : i32
    %scan3A_3 = arith.constant 4 : i32
    %scan3A_4 = arith.addi %scan3A, %scan3A_3 : i32
    %scan3A_5 = arith.constant 1 : i32
    scf.for %scan3A_9 = %scan3A to %scan3A_4 step %scan3A_5  : i32 {
      %mul3A_10 = arith.constant 1 : i32
      %mul3A_11 = arith.muli %scan3A_9, %mul3A_10 : i32
      %add3A_12 = arith.constant 0 : i32
      %add3A_13 = arith.addi %add3A_12, %mul3A_11 : i32
      %mul3A_14 = arith.constant 128 : i32
      %mul3A_15 = arith.muli %add3A_13, %mul3A_14 : i32
      %multiple_of3A = tpu.assume_multiple %mul3A_15, 128 : i32
      %scan3A_16 = arith.constant 0 : i32
      %scan3A_17 = arith.constant 128 : i32
      %scan3A_18 = arith.addi %scan3A_16, %scan3A_17 : i32
      %scan3A_19 = arith.constant 1 : i32
      scf.for %scan3A_41 = %scan3A_16 to %scan3A_18 step %scan3A_19  : i32 {
        %mul3A_42 = arith.constant 1 : i32
        %mul3A_43 = arith.muli %scan3A_41, %mul3A_42 : i32
        %add3A_44 = arith.constant 0 : i32
        %add3A_45 = arith.addi %add3A_44, %mul3A_43 : i32
        %broadcast_in_dim3A = arith.constant 0.000000e+00 : f32
        %broadcast_in_dim3A_46 = vector.broadcast %broadcast_in_dim3A : f32 to vector<16xf32>
        %swap3A = arith.index_cast %add3A_45 : i32 to index
        %swap3A_47 = arith.constant 0 : index
        %swap3A_48 = tpu.vector_load %arg7[%swap3A, %swap3A_47] {strides = array<i32>} : memref<128x64xf32, #tpu.memory_space<vmem>>, vector<16xf32>,
        tpu.vector_store %arg7[%swap3A, %swap3A_47], %broadcast_in_dim3A_46 {strides = array<i32>} : memref<128x64xf32, #tpu.memory_space<vmem>>, vector<16xf32>,
        %broadcast_in_dim3A_49 = arith.constant 0.000000e+00 : f32
        %broadcast_in_dim3A_50 = vector.broadcast %broadcast_in_dim3A_49 : f32 to vector<16xf32>
        %swap3A_51 = arith.index_cast %add3A_45 : i32 to index
        %swap3A_52 = arith.constant 16 : index
        %swap3A_53 = tpu.vector_load %arg7[%swap3A_51, %swap3A_52] {strides = array<i32>} : memref<128x64xf32, #tpu.memory_space<vmem>>, vector<16xf32>,
        tpu.vector_store %arg7[%swap3A_51, %swap3A_52], %broadcast_in_dim3A_50 {strides = array<i32>} : memref<128x64xf32, #tpu.memory_space<vmem>>, vector<16xf32>,
        %broadcast_in_dim3A_54 = arith.constant 0.000000e+00 : f32
        %broadcast_in_dim3A_55 = vector.broadcast %broadcast_in_dim3A_54 : f32 to vector<16xf32>
        %swap3A_56 = arith.index_cast %add3A_45 : i32 to index
        %swap3A_57 = arith.constant 32 : index
        %swap3A_58 = tpu.vector_load %arg7[%swap3A_56, %swap3A_57] {strides = array<i32>} : memref<128x64xf32, #tpu.memory_space<vmem>>, vector<16xf32>,
        tpu.vector_store %arg7[%swap3A_56, %swap3A_57], %broadcast_in_dim3A_55 {strides = array<i32>} : memref<128x64xf32, #tpu.memory_space<vmem>>, vector<16xf32>,
        %broadcast_in_dim3A_59 = arith.constant 0.000000e+00 : f32
        %broadcast_in_dim3A_60 = vector.broadcast %broadcast_in_dim3A_59 : f32 to vector<16xf32>
        %swap3A_61 = arith.index_cast %add3A_45 : i32 to index
        %swap3A_62 = arith.constant 48 : index
        %swap3A_63 = tpu.vector_load %arg7[%swap3A_61, %swap3A_62] {strides = array<i32>} : memref<128x64xf32, #tpu.memory_space<vmem>>, vector<16xf32>,
        tpu.vector_store %arg7[%swap3A_61, %swap3A_62], %broadcast_in_dim3A_60 {strides = array<i32>} : memref<128x64xf32, #tpu.memory_space<vmem>>, vector<16xf32>,
      }
      %scan3A_20 = arith.constant 128 : i32
      %scan3A_21 = arith.constant 0 : i32
      %scan3A_22 = arith.constant 50 : i32
      %scan3A_23 = arith.addi %scan3A_21, %scan3A_22 : i32
      %scan3A_24 = arith.constant 1 : i32
      scf.for %scan3A_41 = %scan3A_21 to %scan3A_23 step %scan3A_24  : i32 {
        %mul3A_42 = arith.constant 1 : i32
        %mul3A_43 = arith.muli %scan3A_41, %mul3A_42 : i32
        %add3A_44 = arith.constant 0 : i32
        %add3A_45 = arith.addi %add3A_44, %mul3A_43 : i32
        %dma_start3A = tpu.memref_slice %arg6[%add3A_45, %multiple_of3A] : memref<50x512xi32, #tpu.memory_space<vmem>> -> memref<1x128xi32, #tpu.memory_space<vmem>>
        %dma_start3A_46 = tpu.memref_squeeze %dma_start3A : memref<1x128xi32, #tpu.memory_space<vmem>> -> memref<128xi32, #tpu.memory_space<vmem>>
        %dma_start3A_47 = arith.constant 0 : i32
        %dma_start3A_48 = arith.constant 0 : i32
        %dma_start3A_49 = tpu.memref_slice %arg3[%dma_start3A_47, %dma_start3A_48] : memref<1000001x64xf32, #tpu.memory_space<hbm>> -> memref<1000001x64xf32, #tpu.memory_space<hbm>>
        tpu.enqueue_indirect_dma source(%dma_start3A_49 : memref<1000001x64xf32, #tpu.memory_space<hbm>>) target(%arg7 : memref<128x64xf32, #tpu.memory_space<vmem>>) offsets(%dma_start3A_46 : memref<128xi32, #tpu.memory_space<vmem>>) semaphore(%arg10 : memref<!tpu.dma_semaphore, #tpu.memory_space<semaphore_mem>>) {add = true}
      }
      %scan3A_25 = arith.constant 50 : i32
      %scan3A_26 = arith.constant 0 : i32
      %scan3A_27 = arith.constant 8 : i32
      %scan3A_28 = arith.addi %scan3A_26, %scan3A_27 : i32
      %scan3A_29 = arith.constant 1 : i32
      scf.for %scan3A_41 = %scan3A_26 to %scan3A_28 step %scan3A_29  : i32 {
        %mul3A_42 = arith.constant 1 : i32
        %mul3A_43 = arith.muli %scan3A_41, %mul3A_42 : i32
        %add3A_44 = arith.constant 0 : i32
        %add3A_45 = arith.addi %add3A_44, %mul3A_43 : i32
        %broadcast_in_dim3A = arith.constant 0.000000e+00 : f32
        %broadcast_in_dim3A_46 = vector.broadcast %broadcast_in_dim3A : f32 to vector<16xf32>
        %scan3A_47 = arith.constant 0 : i32
        %scan3A_48 = arith.constant 50 : i32
        %scan3A_49 = arith.addi %scan3A_47, %scan3A_48 : i32
        %scan3A_50 = arith.constant 1 : i32
        %scan3A_51 = scf.for %scan3A_58 = %scan3A_47 to %scan3A_49 step %scan3A_50 iter_args(%scan3A_59 = %broadcast_in_dim3A_46) -> (vector<16xf32>)  : i32 {
          %mul3A_60 = arith.constant 1 : i32
          %mul3A_61 = arith.muli %scan3A_58, %mul3A_60 : i32
          %add3A_62 = arith.constant 0 : i32
          %add3A_63 = arith.addi %add3A_62, %mul3A_61 : i32
          %mul3A_64 = arith.constant 16 : i32
          %mul3A_65 = arith.muli %add3A_45, %mul3A_64 : i32
          %add3A_66 = arith.addi %multiple_of3A, %mul3A_65 : i32
          %multiple_of3A_67 = tpu.assume_multiple %add3A_66, 16 : i32
          %get3A = arith.index_cast %add3A_63 : i32 to index
          %get3A_68 = arith.index_cast %multiple_of3A_67 : i32 to index
          %get3A_69 = tpu.vector_load %arg6[%get3A, %get3A_68] {strides = array<i32>} : memref<50x512xi32, #tpu.memory_space<vmem>>, vector<16xi32>,
          %ne3A = arith.constant 0 : i32
          %ne3A_70 = vector.broadcast %ne3A : i32 to vector<16xi32>
          %ne3A_71 = arith.cmpi ne, %get3A_69, %ne3A_70 : vector<16xi32>
          %jit3A = arith.constant 1.000000e+00 : f32
          %jit3A_72 = arith.constant 0.000000e+00 : f32
          %broadcast_in_dim3A_73 = vector.broadcast %jit3A : f32 to vector<16xf32>
          %broadcast_in_dim3A_74 = vector.broadcast %jit3A_72 : f32 to vector<16xf32>
          %select_n3A = arith.select %ne3A_71, %broadcast_in_dim3A_73, %broadcast_in_dim3A_74 : vector<16xi1>, vector<16xf32>
          %add3A_75 = arith.addf %scan3A_59, %select_n3A : vector<16xf32>
          scf.yield %add3A_75 : vector<16xf32>
        }
        %scan3A_52 = arith.constant 50 : i32
        %mul3A_53 = arith.constant 16 : i32
        %mul3A_54 = arith.muli %add3A_45, %mul3A_53 : i32
        %add3A_55 = arith.addi %multiple_of3A, %mul3A_54 : i32
        %multiple_of3A_56 = tpu.assume_multiple %add3A_55, 16 : i32
        %swap3A = arith.index_cast %multiple_of3A_56 : i32 to index
        %swap3A_57 = tpu.vector_load %arg9[%swap3A] {strides = array<i32>} : memref<512xf32, #tpu.memory_space<vmem>>, vector<16xf32>,
        tpu.vector_store %arg9[%swap3A], %scan3A_51 {strides = array<i32>} : memref<512xf32, #tpu.memory_space<vmem>>, vector<16xf32>,
      }
      %scan3A_30 = arith.constant 8 : i32
      %scan3A_31 = arith.constant 0 : i32
      %scan3A_32 = arith.constant 50 : i32
      %scan3A_33 = arith.addi %scan3A_31, %scan3A_32 : i32
      %scan3A_34 = arith.constant 1 : i32
      scf.for %scan3A_41 = %scan3A_31 to %scan3A_33 step %scan3A_34  : i32 {
        %mul3A_42 = arith.constant 1 : i32
        %mul3A_43 = arith.muli %scan3A_41, %mul3A_42 : i32
        %add3A_44 = arith.constant 0 : i32
        %add3A_45 = arith.addi %add3A_44, %mul3A_43 : i32
        %dma_wait3A = arith.constant 0 : i32
        %dma_wait3A_46 = arith.constant 0 : i32
        %dma_wait3A_47 = tpu.memref_slice %arg3[%dma_wait3A, %dma_wait3A_46] : memref<1000001x64xf32, #tpu.memory_space<hbm>> -> memref<128x64xf32, #tpu.memory_space<hbm>>
        %dma_wait3A_48 = arith.constant 0 : i32
        %dma_wait3A_49 = arith.constant 0 : i32
        %dma_wait3A_50 = tpu.memref_slice %arg3[%dma_wait3A_48, %dma_wait3A_49] : memref<1000001x64xf32, #tpu.memory_space<hbm>> -> memref<128x64xf32, #tpu.memory_space<hbm>>
        tpu.wait_dma2 semaphore(%arg10 : memref<!tpu.dma_semaphore, #tpu.memory_space<semaphore_mem>>) src(%dma_wait3A_50 : memref<128x64xf32, #tpu.memory_space<hbm>>) dst(%arg7 : memref<128x64xf32, #tpu.memory_space<vmem>>)
      }
      %scan3A_35 = arith.constant 50 : i32
      %scan3A_36 = arith.constant 0 : i32
      %scan3A_37 = arith.constant 128 : i32
      %scan3A_38 = arith.addi %scan3A_36, %scan3A_37 : i32
      %scan3A_39 = arith.constant 1 : i32
      scf.for %scan3A_41 = %scan3A_36 to %scan3A_38 step %scan3A_39  : i32 {
        %mul3A_42 = arith.constant 1 : i32
        %mul3A_43 = arith.muli %scan3A_41, %mul3A_42 : i32
        %add3A_44 = arith.constant 0 : i32
        %add3A_45 = arith.addi %add3A_44, %mul3A_43 : i32
        %get3A = arith.index_cast %add3A_45 : i32 to index
        %get3A_46 = arith.constant 0 : index
        %get3A_47 = tpu.vector_load %arg7[%get3A, %get3A_46] {strides = array<i32>} : memref<128x64xf32, #tpu.memory_space<vmem>>, vector<16xf32>,
        %add3A_48 = arith.addi %multiple_of3A, %add3A_45 : i32
        %mul3A_49 = arith.constant 64 : i32
        %mul3A_50 = arith.muli %add3A_48, %mul3A_49 : i32
        %add3A_51 = arith.constant 0 : i32
        %add3A_52 = arith.addi %mul3A_50, %add3A_51 : i32
        %swap3A = arith.index_cast %add3A_52 : i32 to index
        %swap3A_53 = tpu.vector_load %arg8[%swap3A] {strides = array<i32>} : memref<32768xf32, #tpu.memory_space<vmem>>, vector<16xf32>,
        tpu.vector_store %arg8[%swap3A], %get3A_47 {strides = array<i32>} : memref<32768xf32, #tpu.memory_space<vmem>>, vector<16xf32>,
        %get3A_54 = arith.index_cast %add3A_45 : i32 to index
        %get3A_55 = arith.constant 16 : index
        %get3A_56 = tpu.vector_load %arg7[%get3A_54, %get3A_55] {strides = array<i32>} : memref<128x64xf32, #tpu.memory_space<vmem>>, vector<16xf32>,
        %add3A_57 = arith.addi %multiple_of3A, %add3A_45 : i32
        %mul3A_58 = arith.constant 64 : i32
        %mul3A_59 = arith.muli %add3A_57, %mul3A_58 : i32
        %add3A_60 = arith.constant 16 : i32
        %add3A_61 = arith.addi %mul3A_59, %add3A_60 : i32
        %swap3A_62 = arith.index_cast %add3A_61 : i32 to index
        %swap3A_63 = tpu.vector_load %arg8[%swap3A_62] {strides = array<i32>} : memref<32768xf32, #tpu.memory_space<vmem>>, vector<16xf32>,
        tpu.vector_store %arg8[%swap3A_62], %get3A_56 {strides = array<i32>} : memref<32768xf32, #tpu.memory_space<vmem>>, vector<16xf32>,
        %get3A_64 = arith.index_cast %add3A_45 : i32 to index
        %get3A_65 = arith.constant 32 : index
        %get3A_66 = tpu.vector_load %arg7[%get3A_64, %get3A_65] {strides = array<i32>} : memref<128x64xf32, #tpu.memory_space<vmem>>, vector<16xf32>,
        %add3A_67 = arith.addi %multiple_of3A, %add3A_45 : i32
        %mul3A_68 = arith.constant 64 : i32
        %mul3A_69 = arith.muli %add3A_67, %mul3A_68 : i32
        %add3A_70 = arith.constant 32 : i32
        %add3A_71 = arith.addi %mul3A_69, %add3A_70 : i32
        %swap3A_72 = arith.index_cast %add3A_71 : i32 to index
        %swap3A_73 = tpu.vector_load %arg8[%swap3A_72] {strides = array<i32>} : memref<32768xf32, #tpu.memory_space<vmem>>, vector<16xf32>,
        tpu.vector_store %arg8[%swap3A_72], %get3A_66 {strides = array<i32>} : memref<32768xf32, #tpu.memory_space<vmem>>, vector<16xf32>,
        %get3A_74 = arith.index_cast %add3A_45 : i32 to index
        %get3A_75 = arith.constant 48 : index
        %get3A_76 = tpu.vector_load %arg7[%get3A_74, %get3A_75] {strides = array<i32>} : memref<128x64xf32, #tpu.memory_space<vmem>>, vector<16xf32>,
        %add3A_77 = arith.addi %multiple_of3A, %add3A_45 : i32
        %mul3A_78 = arith.constant 64 : i32
        %mul3A_79 = arith.muli %add3A_77, %mul3A_78 : i32
        %add3A_80 = arith.constant 48 : i32
        %add3A_81 = arith.addi %mul3A_79, %add3A_80 : i32
        %swap3A_82 = arith.index_cast %add3A_81 : i32 to index
        %swap3A_83 = tpu.vector_load %arg8[%swap3A_82] {strides = array<i32>} : memref<32768xf32, #tpu.memory_space<vmem>>, vector<16xf32>,
        tpu.vector_store %arg8[%swap3A_82], %get3A_76 {strides = array<i32>} : memref<32768xf32, #tpu.memory_space<vmem>>, vector<16xf32>,
      }
      %scan3A_40 = arith.constant 128 : i32
    }
    %scan3A_6 = arith.constant 4 : i32
    %mul3A_7 = arith.constant 64 : i32
    %mul3A_8 = arith.muli %mul3A_2, %mul3A_7 : i32
    "tpu.region"() ({
      %run_scoped3A = tpu.sem_alloc : memref<!tpu.dma_semaphore, #tpu.memory_space<semaphore_mem>>
      %dma_start3A = tpu.memref_slice %arg4[%mul3A_8] : memref<1048576xf32, #tpu.memory_space<hbm>> -> memref<32768xf32, #tpu.memory_space<hbm>>
      %dma_start3A_9 = tpu.memref_slice %arg4[%mul3A_8] : memref<1048576xf32, #tpu.memory_space<hbm>> -> memref<32768xf32, #tpu.memory_space<hbm>>
      tpu.enqueue_dma source(%arg8 : memref<32768xf32, #tpu.memory_space<vmem>>) target(%dma_start3A_9 : memref<32768xf32, #tpu.memory_space<hbm>>) target_semaphore(%run_scoped3A : memref<!tpu.dma_semaphore, #tpu.memory_space<semaphore_mem>>)
      %dma_wait3A = tpu.memref_slice %arg4[%mul3A_8] : memref<1048576xf32, #tpu.memory_space<hbm>> -> memref<32768xf32, #tpu.memory_space<hbm>>
      %dma_wait3A_10 = tpu.memref_slice %arg4[%mul3A_8] : memref<1048576xf32, #tpu.memory_space<hbm>> -> memref<32768xf32, #tpu.memory_space<hbm>>
      tpu.wait_dma2 semaphore(%run_scoped3A : memref<!tpu.dma_semaphore, #tpu.memory_space<semaphore_mem>>) src(%arg8 : memref<32768xf32, #tpu.memory_space<vmem>>) dst(%dma_wait3A_10 : memref<32768xf32, #tpu.memory_space<hbm>>)
      tpu.yield
    }) : () -> ()
    "tpu.region"() ({
      %run_scoped3A = tpu.sem_alloc : memref<!tpu.dma_semaphore, #tpu.memory_space<semaphore_mem>>
      %dma_start3A = tpu.memref_slice %arg5[%mul3A_2] : memref<16384xf32, #tpu.memory_space<hbm>> -> memref<512xf32, #tpu.memory_space<hbm>>
      %dma_start3A_9 = tpu.memref_slice %arg5[%mul3A_2] : memref<16384xf32, #tpu.memory_space<hbm>> -> memref<512xf32, #tpu.memory_space<hbm>>
      tpu.enqueue_dma source(%arg9 : memref<512xf32, #tpu.memory_space<vmem>>) target(%dma_start3A_9 : memref<512xf32, #tpu.memory_space<hbm>>) target_semaphore(%run_scoped3A : memref<!tpu.dma_semaphore, #tpu.memory_space<semaphore_mem>>)
      %dma_wait3A = tpu.memref_slice %arg5[%mul3A_2] : memref<16384xf32, #tpu.memory_space<hbm>> -> memref<512xf32, #tpu.memory_space<hbm>>
      %dma_wait3A_10 = tpu.memref_slice %arg5[%mul3A_2] : memref<16384xf32, #tpu.memory_space<hbm>> -> memref<512xf32, #tpu.memory_space<hbm>>
      tpu.wait_dma2 semaphore(%run_scoped3A : memref<!tpu.dma_semaphore, #tpu.memory_space<semaphore_mem>>) src(%arg9 : memref<512xf32, #tpu.memory_space<vmem>>) dst(%dma_wait3A_10 : memref<512xf32, #tpu.memory_space<hbm>>)
      tpu.yield
    }) : () -> ()
    return
  }
}

</mosaic_0001>

<sc_bundles>
// kernel: kernel.4.cloned.1.call-start
scs
__scs_entry_jumppad:
0x0: {  	(pc) =	sbr.rel $0x88, $3  }
0x1: {  	(tag) =	ssettag $0x0;
	lr =	simm.s32 $0x1  }
0x2: {  	[smem:$0x3F9A] =	sst lr;
	_ =	strace $0xD0000000  }
0x3: {  	_ = 	snop  }
0x4: {  	_ = 	snop  }
0x5: {  	_ = 	snop  }
0x6: {  	_ = 	snop  }
0x7: {  	_ = 	snop  }
__scs_overlays_trampoline_lowered:
0x8: {  	[smem:$0x3FA9] =	sst s0  }
0x9: {  	[smem:$0x3FAA] =	sst s1  }
0xa: {  	[smem:$0x3FAB] =	sst s2  }
0xb: {  	[smem:$0x3FAC] =	sst s3  }
0xc: {  	[smem:$0x3FAD] =	sst s4  }
0xd: {  	[smem:$0x3FAE] =	sst s5  }
0xe: {  	[smem:$0x3FAF] =	sst s6  }
0xf: {  	[smem:$0x3FB0] =	sst s7  }
0x10: {  	[smem:$0x3FB1] =	sst s8  }
0x11: {  	[smem:$0x3FB2] =	sst s9;
	s0 =	simm.s32 @!p0 $0x0  }
0x12: {  	s1 =	sld [smem:$0x3F98];
	s0 =	simm.s32 @p0 $0x1  }
0x13: {  	[smem:$0x3FB3] =	sst s0;
	s0 =	simm.s32 @!p1 $0x0  }
0x14: {  	s2 =	sld [smem:$0x3F97];
	s0 =	simm.s32 @p1 $0x1  }
0x15: {  	[smem:$0x3FB4] =	sst s0;
	s0 =	simm.s32 @!p2 $0x0  }
0x16: {  	s3 =	sld [smem:$0x3FDB];
	s0 =	simm.s32 @p2 $0x1  }
0x17: {  	s4 =	simm.s32 $0x1BF5;
	[smem:$0x3FB6] =	sst s0  }
0x18: {  	s0 =	sld [smem:$0x3F99];
	_ =	swait.ge [sflag:s4], $0x0  }
0x19: {  	s7 =	sld [smem:$0x3F9A]  }
0x1a: {  	s8 =	sadd.s32 $0xFFFFE003, lr  }
0x1b: {  	s9 =	sadd.s32 $0xFFFFFEF7, lr;
	s5 =	simm.s32 $0xFFFFFFFF;
	p2 =	slt.u32 s8, $0xFFFFF086  }
0x1c: {  	p1 =	slt.u32 s9, $0xF7A;
	s5 =	simm.s32 @!p2 $0x0  }
0x1d: {  	s5 =	simm.s32 @p1 $0x1;
	p0 =	seq.s32 s7, s2  }
0x1e: {  	s7 =	smul.u32 @!p0 $0xF7A, s2;
	p2 =	seq.s32 @!p0 s5, $0x0  }
0x1f: {  	s9 =	smul.u32 $0xF7A, s1;
	s8 =	simm.s32 @!p0 $0x1BF5;
	p2 =	por !p2, p0  }
0x20: {  	[sflag:s8] =	ssyncset.s32 @!p0 $0xFFFFF086;
	s6 =	sadd.s32 @!p0 s3, s7;
	s7 =	simm.s32 @!p0 $0x108  }
0x21: {  	s3 =	sadd.s32 s3, s9;
	s6 =	sadd.s32 @!p0 $0x88, s6;
	s7 =	simm.s32 @p2 $0x1082  }
0x22: {  	[simem:s7], [sflag:s8] =	dma.local @!p0 [hbm:s6], $0xF7A  }
0x23: {  	s9 =	sor.u32 $0xD0000000, s2;
	s6 =	simm.s32 $0x108;
	_ =	swait.ge @!p0 [sflag:s8], $0x0  }
0x24: {  	s3 =	sadd.s32 $0x88, s3;
	s6 =	simm.s32 @!p1 $0x1082;
	[sflag:s4] =	ssyncset.s32 $0xFFFFF086  }
0x25: {  	[simem:s6], [sflag:s4] =	dma.local [hbm:s3], $0xF7A  }
0x26: {  	[smem:$0x3F9A] =	sst s1;
	(tag) =	ssettag s2;
	_ =	strace s9  }
0x27: {  	s1 =	sld [smem:$0x3FAA]  }
0x28: {  	s2 =	sld [smem:$0x3FAB]  }
0x29: {  	s4 =	sld [smem:$0x3FAD]  }
0x2a: {  	p0 =	seq.s32 s5, $0x0;
	s5 =	sld [smem:$0x3FAE]  }
0x2b: {  	s6 =	sld [smem:$0x3FAF]  }
0x2c: {  	s7 =	sld [smem:$0x3FB0]  }
0x2d: {  	s3 =	simm.s32 $0x108;
	s8 =	sld [smem:$0x3FB1]  }
0x2e: {  	s3 =	simm.s32 @!p0 $0x1082;
	s9 =	sld [smem:$0x3FB2]  }
0x2f: {  	lr =	sadd.s32 s0, s3;
	s0 =	sld [smem:$0x3FA9]  }
0x30: {  	s3 =	sld [smem:$0x3FAC]  }
0x31: {  	[smem:$0x3FB5] =	sst s10  }
0x32: {  	s10 =	sld [smem:$0x3FB3];
	_ =	sdelay $0x3  }
0x33: {  	p0 =	seq.s32 s10, $0x1;
	s10 =	sld [smem:$0x3FB5];
	_ =	sdelay $0x3  }
0x34: {  	[smem:$0x3FB5] =	sst s10  }
0x35: {  	s10 =	sld [smem:$0x3FB4];
	_ =	sdelay $0x3  }
0x36: {  	p1 =	seq.s32 s10, $0x1;
	s10 =	sld [smem:$0x3FB5];
	_ =	sdelay $0x3  }
0x37: {  	[smem:$0x3FB5] =	sst s10  }
0x38: {  	s10 =	sld [smem:$0x3FB6]  }
0x39: {  	_ = 	snop;
	(pc) =	sbr.ind lr, $3  }
0x3a: {  	_ = 	snop  }
0x3b: {  	_ = 	snop  }
0x3c: {  	p2 =	seq.s32 s10, $0x1;
	s10 =	sld [smem:$0x3FB5]  }
0x3d: {  	_ =	shalt  }
0x3e: {  	_ =	shalt  }
0x3f: {  	_ =	shalt  }
0x40: {  	_ =	shalt  }
0x41: {  	_ =	shalt  }
0x42: {  	_ =	shalt  }
0x43: {  	_ =	shalt  }
0x44: {  	_ =	shalt  }
0x45: {  	_ =	shalt  }
0x46: {  	_ =	shalt  }
0x47: {  	_ =	shalt  }
0x48: {  	_ =	shalt  }
0x49: {  	_ =	shalt  }
0x4a: {  	_ =	shalt  }
0x4b: {  	_ =	shalt  }
0x4c: {  	_ =	shalt  }
0x4d: {  	_ =	shalt  }
0x4e: {  	_ =	shalt  }
0x4f: {  	_ =	shalt  }
0x50: {  	_ =	shalt  }
0x51: {  	_ =	shalt  }
0x52: {  	_ =	shalt  }
0x53: {  	_ =	shalt  }
0x54: {  	_ =	shalt  }
0x55: {  	_ =	shalt  }
0x56: {  	_ =	shalt  }
0x57: {  	_ =	shalt  }
0x58: {  	_ =	shalt  }
0x59: {  	_ =	shalt  }
0x5a: {  	_ =	shalt  }
0x5b: {  	_ =	shalt  }
0x5c: {  	_ =	shalt  }
0x5d: {  	_ =	shalt  }
0x5e: {  	_ =	shalt  }
0x5f: {  	_ =	shalt  }
0x60: {  	_ =	shalt  }
0x61: {  	_ =	shalt  }
0x62: {  	_ =	shalt  }
0x63: {  	_ =	shalt  }
0x64: {  	_ =	shalt  }
0x65: {  	_ =	shalt  }
0x66: {  	_ =	shalt  }
0x67: {  	_ =	shalt  }
0x68: {  	_ =	shalt  }
0x69: {  	_ =	shalt  }
0x6a: {  	_ =	shalt  }
0x6b: {  	_ =	shalt  }
0x6c: {  	_ =	shalt  }
0x6d: {  	_ =	shalt  }
0x6e: {  	_ =	shalt  }
0x6f: {  	_ =	shalt  }
0x70: {  	_ =	shalt  }
0x71: {  	_ =	shalt  }
0x72: {  	_ =	shalt  }
0x73: {  	_ =	shalt  }
0x74: {  	_ =	shalt  }
0x75: {  	_ =	shalt  }
0x76: {  	_ =	shalt  }
0x77: {  	_ =	shalt  }
0x78: {  	_ =	shalt  }
0x79: {  	_ =	shalt  }
0x7a: {  	_ =	shalt  }
0x7b: {  	_ =	shalt  }
0x7c: {  	_ =	shalt  }
0x7d: {  	_ =	shalt  }
0x7e: {  	_ =	shalt  }
0x7f: {  	_ =	shalt  }
0x80: {  	_ =	shalt  }
0x81: {  	_ =	shalt  }
0x82: {  	_ =	shalt  }
0x83: {  	_ =	shalt  }
0x84: {  	_ =	shalt  }
0x85: {  	_ =	shalt  }
0x86: {  	_ =	shalt  }
0x87: {  	_ =	shalt  }
.Lfunc_end0:
.L_simem_size_0:
called_computation_lowered:
.L_overlay_start_0:
0x88: {  	s2 =	sld [smem:$0x3FD9]  }
0x89: {  	s3 =	sld [smem:$0x3FFE];
	_ =	sdelay $0x1  }
0x8a: {  	s1 =	srdreg.scid  }
0x8b: {  	s0 =	sand.u32 $0x1, s1  }
0x8c: {  	s16 =	sshll.u32 s0, $0xA;
	s2 =	sadd.s32 s3, s2  }
0x8d: {  	s2 =	sadd.s32 s2, s16  }
0x8e: {  	[smem:$0x3FC1] =	sst s2  }
0x8f: {  	_ = 	snop  }
0x90: {  	(tm) =	ssettm $0x1  }
0x91: {  	s17 =	sld [smem:$0x3FFB];
	_ =	sdelay $0x3  }
0x92: {  	_ =	strace s17  }
0x93: {  	s2 =	sld [smem:$0x3FFC];
	_ =	sdelay $0x3  }
0x94: {  	_ =	strace s2  }
0x95: {  	s2 =	sld [smem:$0x3FFD];
	_ =	sdelay $0x3  }
0x96: {  	_ =	strace s2  }
0x97: {  	_ =	strace $0x8FFFFFFF  }
0x98: {  	s18 =	sld [smem:$0x3FDB];
	_ =	sdelay $0x1  }
0x99: {  	s19 =	simm.s32 $_scs_section_size  }
0x9a: {  	s4 =	simm.s32 $_size__tile_overlayer_lowered;
	s5 =	simm.s32 $_tile_overlayer_lowered  }
0x9b: {  	s22 =	simm.s32 $0x1BFF;
	s21 =	sshll.u32 s5, $0x1;
	s2 =	sadd.s32 s19, s18  }
0x9c: {  	s6 =	simm.s32 $0x0;
	s20 =	sshll.u32 s4, $0x1;
	s4 =	sadd.s32 s21, s2  }
0x9d: {  	[timem:s6], [sflag:s22] =	dma.local [hbm:s4], s20  }
0x9e: {  	_ =	swait.ge [sflag:s22], s20  }
0x9f: {  	s3 =	ssub.s32 $0x0, s20;
	[sflag:s22] =	ssyncset.done $0x0  }
0xa0: {  	[sflag:s22] =	ssyncadd.s32 s3;
	_ =	sdelay $0x1  }
0xa1: {  	s23 =	simm.s32 $0x1B8B  }
0xa2: {  	_ =	swait.ge [sflag:s23], $0x1  }
0xa3: {  	[sflag:s23] =	ssyncset.done $0x0  }
0xa4: {  	s25 =	simm.s32 $0x1B8E;
	s24 =	sld [smem:$0x3FFE];
	[sflag:s23] =	ssyncadd.s32 $0xFFFFFFFF  }
0xa5: {  	s26 =	simm.s32 $execute0_lowered;
	[smem:$0x3FD2] =	sst s25  }
0xa6: {  	s4 =	sshll.u32 s26, $0x1;
	_ =	strace $0x80000046;
	[dreg:$0x1] =	wrdreg $0xFFFFFFFF  }
0xa7: {  	s28 =	simm.s32 $_size_execute0_lowered;
	s2 =	sadd.s32 s2, s4;
	[dreg:$0x0] =	wrdreg $0x0  }
0xa8: {  	s4 =	sshll.u32 s28, $0x1;
	[dreg:$0x2] =	wrdreg s2  }
0xa9: {  	[dreg:$0x3] =	wrdreg s4  }
0xaa: {  	[dreg:$0x4] =	wrdreg $0xC0  }
0xab: {  	_ =	task [dreg:s6], $0x5FFFF  }
0xac: {  	[dreg:$0x1] =	wrdreg $0xFFFFFFFF  }
0xad: {  	[dreg:$0x0] =	wrdreg $0x60  }
0xae: {  	[dreg:$0x2] =	wrdreg s24  }
0xaf: {  	[dreg:$0x3] =	wrdreg $0x9  }
0xb0: {  	_ =	task.clear_ibuf [dreg:s6], $0x4FFFF;
	_ =	strace $0x90000046  }
0xb1: {  	s29 =	simm.s32 $0x9;
	_ =	strace $0x80000048  }
0xb2: {  	_ =	swait.ge [sflag:s29], $0x1  }
0xb3: {  	[sflag:s29] =	ssyncadd.s32 $0xFFFFFFFF  }
0xb4: {  	_ =	strace $0x90000048  }
0xb5: {  	_ =	sfence  }
0xb6: {  	s30 =	sld [smem:$0x0];
	_ =	sdelay $0x2  }
0xb7: {  	s31 =	sshll.u32 s1, $0xD;
	s1 =	sshrl.u32 s1, $0x2  }
0xb8: {  	s3 =	sand.u32 $0x4000, s31;
	s1 =	sadd.s32 s1, s30  }
0xb9: {  	s0 =	sor.u32 s3, s0;
	s1 =	sshll.u32 s1, $0x11  }
0xba: {  	s0 =	sor.u32 s1, s0  }
0xbb: {  	s0 =	sadd.s32 $0x8F2B, s0  }
0xbc: {  	[sflag:s0] =	ssyncadd.remote.s32 $0x1  }
0xbd: {  	_ =	sfence.sel $0xFFFF  }
0xbe: {  	[dreg:$0x0] =	wrdreg $0xFFFFFFFF;
	(pc) =	sbr.abs _section_cstart, $3  }
0xbf: {  	[dreg:$0x1] =	wrdreg $0xFFFFFFFF  }
0xc0: {  	_ =	task.clear_ibuf [dreg:s6], $0x2FFFF;
	_ =	strace $0x9FFFFFFF  }
0xc1: {  	(tm) =	ssettm $0x7FFFFFFF  }
tec
execute0_lowered:
.L_overlay_start_1:
0x0: {  	(tag) =	ssettag $0x1  }
0x1: {  	s4 =	rddreg [dreg:$0x0]  }
0x2: {  	s0 =	rddreg [dreg:$0x1];
	s2 =	simm.s32 $0x0;
	s3 =	srdreg.scid  }
0x3: {  	s1 =	stileid.u32;
	s9 =	simm.s32 $0x4000;
	s10 =	simm.s32 $0x2  }
0x4: {  	s11 =	simm.s32 $0x80;
	s12 =	simm.s32 $0x6400;
	s13 =	simm.s32 $0x1  }
0x5: {  	s14 =	simm.s32 $0x8400;
	s15 =	simm.s32 $0x10400;
	s16 =	simm.s32 $0x0  }
0x6: {  	[smem:$0x7FF] =	sst s2;
	s5 =	sand.u32 $0x1, s3;
	s31 =	sshll.u32 s1, $0x1  }
0x7: {  	s3 =	sadd.s32 $0xF43400, s4;
	_ =	strace $0x80000047;
	s6 =	sor.u32 s5, s31  }
0x8: {  	s5 =	ssub.s32 $0x2, s5;
	s7 =	sshll.u32 s6, $0x6;
	s6 =	sshll.u32 s6, $0xC  }
0x9: {  	s8 =	sshrl.u32 s5, $0x1;
	s7 =	sadd.s32 s7, s4;
	s6 =	sadd.s32 s6, s4  }
0xa: {  	s8 =	ssub.s32 s5, s8;
	s4 =	sadd.s32 $0xE00, s7;
	s5 =	sadd.s32 $0x19E00, s6  }
0xb: {  	v0 =	vimm.f32 $0.0e+00;
	v1 =	vimm.f32 $1.000000000e+00;
	s6 =	sadd.s32 $0x39E00, s7;
	s7 =	smax.u32 s8, $0x1;
	s8 =	simm.s32 $0x200  }
.LBB2_1:
0xc: {  	[tilespmem:s2], [sflag:$0x2] =	stream.strided.gather [hbm4b:s4+s8], $0x6400, s9, s8, $0x38;
	[tilespmem:$0x10600] =	vst v63  }
0xd: {  	_ =	swait.ge [sflag:s10], $0x6400  }
0xe: {  	s17 =	simm.s32 $0x8400;
	[sflag:s10] =	ssyncset.done $0x0  }
0xf: {  	s18 =	simm.s32 $0x0;
	s19 =	simm.s32 $0x0;
	[sflag:s10] =	ssyncadd.s32 $0xFFFF9C00  }
.LBB2_2:
0x10: {  	s21 =	simm.s32 $0x100;
	s20 =	simm.s32 $0x0  }
.LBB2_3:
0x11: {  	p0 =	seq.s32 s21, $0x7F00;
	[tilespmem:s20+$0x6430] =	vst v0;
	s22 =	smov.u32 s21;
	s21 =	sadd.s32 $0x100, s21  }
.Ltmp0:
0x12: {  	[tilespmem:s20+$0x6420] =	vst v0;
	(pc) =	sbr.rel @!p0 .LBB2_3-.Ltmp0, $3  }
0x13: {  	[tilespmem:s20+$0x6400] =	vst v0  }
0x14: {  	[tilespmem:s20+$0x6410] =	vst v0;
	_ =	sdelay $0x1  }
0x15: {  	s20 =	sshra.s32 s22, $0x2  }
0x16: {  	[tilespmem:s20+$0x6430] =	vst v0  }
0x17: {  	[tilespmem:s20+$0x6420] =	vst v0  }
0x18: {  	[tilespmem:s20+$0x6400] =	vst v0  }
0x19: {  	[tilespmem:s20+$0x6410] =	vst v0;
	s20 =	sshll.u32 s19, $0x7;
	s21 =	simm.s32 $0x800;
	s22 =	sadd.s32 $0x0, s18  }
.LBB2_5:
0x1a: {  	[tilespmem:s12], [sflag:$0x1] =	stream.indirect.gather.add.f32 [hbm:s3], $0x40, s22, s11, $0xb8;
	[tilespmem:$0x10600] =	vst v63  }
0x1b: {  	s22 =	smov.u32 s21;
	p0 =	seq.s32 s21, $0x18800  }
.Ltmp1:
0x1c: {  	s21 =	sadd.s32 $0x800, s21;
	(pc) =	sbr.rel @!p0 .LBB2_5-.Ltmp1, $3  }
0x1d: {  	_ =	sdelay $0x1  }
0x1e: {  	s22 =	sshra.s32 s22, $0x2  }
0x1f: {  	s22 =	sadd.s32 s22, s18  }
0x20: {  	v2 =	vmov s18;
	_ =	sdelay $0x2  }
0x21: {  	[tilespmem:s12], [sflag:$0x1] =	stream.indirect.gather.add.f32 [hbm:s3], $0x40, s22, s11, $0xb8;
	[tilespmem:$0x10600] =	vst v63  }
0x22: {  	s31 =	simm.s32 $0x0  }
0x23: {  	v3 =	vimm.f32 $0.0e+00;
	s21 =	simm.s32 $0x800;
	v4 =	vld.idx.msk [tilespmem:v2+s31+$0x0 ss:$0x1], $0xffff  }
.LBB2_7:
0x24: {  	_ = 	snop  }
0x25: {  	p0 =	sne.s32 s21, $0x18800  }
.Ltmp2:
0x26: {  	_ = 	snop;
	(pc) =	sbr.rel @p0 .LBB2_7-.Ltmp2, $4  }
0x27: {  	_ = 	snop  }
0x28: {  	vm0 =	veq.s32 v4, $0x0  }
0x29: {  	s22 =	sshra.s32 s21, $0x2;
	v5 =	vsel vm0, $0x0, v1  }
0x2a: {  	s21 =	sadd.s32 $0x800, s21;
	v4 =	vld.idx.msk [tilespmem:v2+s22+$0x0 ss:$0x1], $0xffff;
	v3 =	vadd.f32 v5, v3  }
0x2b: {  	_ =	sdelay $0x3  }
0x2c: {  	vm0 =	veq.s32 v4, $0x0  }
0x2d: {  	v4 =	vsel vm0, $0x0, v1  }
0x2e: {  	v3 =	vadd.f32 v4, v3;
	_ =	sdelay $0x1  }
0x2f: {  	s22 =	simm.s32 $0x10;
	[tilespmem:s20+$0x10400] =	vst v3  }
0x30: {  	s21 =	simm.s32 $0x840;
	v3 =	vimm.f32 $0.0e+00;
	v4 =	vld.idx.msk [tilespmem:v2+s22+$0x0 ss:$0x1], $0xffff  }
.LBB2_9:
0x31: {  	_ = 	snop  }
0x32: {  	p0 =	sne.s32 s21, $0x18840  }
.Ltmp3:
0x33: {  	_ = 	snop;
	(pc) =	sbr.rel @p0 .LBB2_9-.Ltmp3, $4  }
0x34: {  	_ = 	snop  }
0x35: {  	vm0 =	veq.s32 v4, $0x0  }
0x36: {  	s22 =	sshra.s32 s21, $0x2;
	v5 =	vsel vm0, $0x0, v1  }
0x37: {  	s21 =	sadd.s32 $0x800, s21;
	v4 =	vld.idx.msk [tilespmem:v2+s22+$0x0 ss:$0x1], $0xffff;
	v3 =	vadd.f32 v5, v3  }
0x38: {  	_ =	sdelay $0x3  }
0x39: {  	vm0 =	veq.s32 v4, $0x0  }
0x3a: {  	v4 =	vsel vm0, $0x0, v1  }
0x3b: {  	v3 =	vadd.f32 v4, v3;
	_ =	sdelay $0x1  }
0x3c: {  	s22 =	simm.s32 $0x20;
	[tilespmem:s20+$0x10410] =	vst v3  }
0x3d: {  	s21 =	simm.s32 $0x880;
	v3 =	vimm.f32 $0.0e+00;
	v4 =	vld.idx.msk [tilespmem:v2+s22+$0x0 ss:$0x1], $0xffff  }
.LBB2_11:
0x3e: {  	_ = 	snop  }
0x3f: {  	p0 =	sne.s32 s21, $0x18880  }
.Ltmp4:
0x40: {  	_ = 	snop;
	(pc) =	sbr.rel @p0 .LBB2_11-.Ltmp4, $4  }
0x41: {  	_ = 	snop  }
0x42: {  	vm0 =	veq.s32 v4, $0x0  }
0x43: {  	s22 =	sshra.s32 s21, $0x2;
	v5 =	vsel vm0, $0x0, v1  }
0x44: {  	s21 =	sadd.s32 $0x800, s21;
	v4 =	vld.idx.msk [tilespmem:v2+s22+$0x0 ss:$0x1], $0xffff;
	v3 =	vadd.f32 v5, v3  }
0x45: {  	_ =	sdelay $0x3  }
0x46: {  	vm0 =	veq.s32 v4, $0x0  }
0x47: {  	v4 =	vsel vm0, $0x0, v1  }
0x48: {  	v3 =	vadd.f32 v4, v3;
	_ =	sdelay $0x1  }
0x49: {  	s22 =	simm.s32 $0x30;
	[tilespmem:s20+$0x10420] =	vst v3  }
0x4a: {  	s21 =	simm.s32 $0x8C0;
	v3 =	vimm.f32 $0.0e+00;
	v4 =	vld.idx.msk [tilespmem:v2+s22+$0x0 ss:$0x1], $0xffff  }
.LBB2_13:
0x4b: {  	_ = 	snop  }
0x4c: {  	p0 =	sne.s32 s21, $0x188C0  }
.Ltmp5:
0x4d: {  	_ = 	snop;
	(pc) =	sbr.rel @p0 .LBB2_13-.Ltmp5, $4  }
0x4e: {  	_ = 	snop  }
0x4f: {  	vm0 =	veq.s32 v4, $0x0  }
0x50: {  	s22 =	sshra.s32 s21, $0x2;
	v5 =	vsel vm0, $0x0, v1  }
0x51: {  	s21 =	sadd.s32 $0x800, s21;
	v4 =	vld.idx.msk [tilespmem:v2+s22+$0x0 ss:$0x1], $0xffff;
	v3 =	vadd.f32 v5, v3  }
0x52: {  	_ =	sdelay $0x3  }
0x53: {  	vm0 =	veq.s32 v4, $0x0  }
0x54: {  	v4 =	vsel vm0, $0x0, v1  }
0x55: {  	v3 =	vadd.f32 v4, v3;
	_ =	sdelay $0x1  }
0x56: {  	s22 =	simm.s32 $0x40;
	[tilespmem:s20+$0x10430] =	vst v3  }
0x57: {  	s21 =	simm.s32 $0x900;
	v3 =	vimm.f32 $0.0e+00;
	v4 =	vld.idx.msk [tilespmem:v2+s22+$0x0 ss:$0x1], $0xffff  }
.LBB2_15:
0x58: {  	_ = 	snop  }
0x59: {  	p0 =	sne.s32 s21, $0x18900  }
.Ltmp6:
0x5a: {  	_ = 	snop;
	(pc) =	sbr.rel @p0 .LBB2_15-.Ltmp6, $4  }
0x5b: {  	_ = 	snop  }
0x5c: {  	vm0 =	veq.s32 v4, $0x0  }
0x5d: {  	s22 =	sshra.s32 s21, $0x2;
	v5 =	vsel vm0, $0x0, v1  }
0x5e: {  	s21 =	sadd.s32 $0x800, s21;
	v4 =	vld.idx.msk [tilespmem:v2+s22+$0x0 ss:$0x1], $0xffff;
	v3 =	vadd.f32 v5, v3  }
0x5f: {  	_ =	sdelay $0x3  }
0x60: {  	vm0 =	veq.s32 v4, $0x0  }
0x61: {  	v4 =	vsel vm0, $0x0, v1  }
0x62: {  	v3 =	vadd.f32 v4, v3;
	_ =	sdelay $0x1  }
0x63: {  	s22 =	simm.s32 $0x50;
	[tilespmem:s20+$0x10440] =	vst v3  }
0x64: {  	s21 =	simm.s32 $0x940;
	v3 =	vimm.f32 $0.0e+00;
	v4 =	vld.idx.msk [tilespmem:v2+s22+$0x0 ss:$0x1], $0xffff  }
.LBB2_17:
0x65: {  	_ = 	snop  }
0x66: {  	p0 =	sne.s32 s21, $0x18940  }
.Ltmp7:
0x67: {  	_ = 	snop;
	(pc) =	sbr.rel @p0 .LBB2_17-.Ltmp7, $4  }
0x68: {  	_ = 	snop  }
0x69: {  	vm0 =	veq.s32 v4, $0x0  }
0x6a: {  	s22 =	sshra.s32 s21, $0x2;
	v5 =	vsel vm0, $0x0, v1  }
0x6b: {  	s21 =	sadd.s32 $0x800, s21;
	v4 =	vld.idx.msk [tilespmem:v2+s22+$0x0 ss:$0x1], $0xffff;
	v3 =	vadd.f32 v5, v3  }
0x6c: {  	_ =	sdelay $0x3  }
0x6d: {  	vm0 =	veq.s32 v4, $0x0  }
0x6e: {  	v4 =	vsel vm0, $0x0, v1  }
0x6f: {  	v3 =	vadd.f32 v4, v3;
	_ =	sdelay $0x1  }
0x70: {  	s22 =	simm.s32 $0x60;
	[tilespmem:s20+$0x10450] =	vst v3  }
0x71: {  	s21 =	simm.s32 $0x980;
	v3 =	vimm.f32 $0.0e+00;
	v4 =	vld.idx.msk [tilespmem:v2+s22+$0x0 ss:$0x1], $0xffff  }
.LBB2_19:
0x72: {  	_ = 	snop  }
0x73: {  	p0 =	sne.s32 s21, $0x18980  }
.Ltmp8:
0x74: {  	_ = 	snop;
	(pc) =	sbr.rel @p0 .LBB2_19-.Ltmp8, $4  }
0x75: {  	_ = 	snop  }
0x76: {  	vm0 =	veq.s32 v4, $0x0  }
0x77: {  	s22 =	sshra.s32 s21, $0x2;
	v5 =	vsel vm0, $0x0, v1  }
0x78: {  	s21 =	sadd.s32 $0x800, s21;
	v4 =	vld.idx.msk [tilespmem:v2+s22+$0x0 ss:$0x1], $0xffff;
	v3 =	vadd.f32 v5, v3  }
0x79: {  	_ =	sdelay $0x3  }
0x7a: {  	vm0 =	veq.s32 v4, $0x0  }
0x7b: {  	v4 =	vsel vm0, $0x0, v1  }
0x7c: {  	v3 =	vadd.f32 v4, v3;
	_ =	sdelay $0x1  }
0x7d: {  	s22 =	simm.s32 $0x70;
	[tilespmem:s20+$0x10460] =	vst v3  }
0x7e: {  	s21 =	simm.s32 $0x9C0;
	v3 =	vimm.f32 $0.0e+00;
	v4 =	vld.idx.msk [tilespmem:v2+s22+$0x0 ss:$0x1], $0xffff  }
.LBB2_21:
0x7f: {  	_ = 	snop  }
0x80: {  	p0 =	sne.s32 s21, $0x189C0  }
.Ltmp9:
0x81: {  	_ = 	snop;
	(pc) =	sbr.rel @p0 .LBB2_21-.Ltmp9, $4  }
0x82: {  	_ = 	snop  }
0x83: {  	vm0 =	veq.s32 v4, $0x0  }
0x84: {  	s22 =	sshra.s32 s21, $0x2;
	v5 =	vsel vm0, $0x0, v1  }
0x85: {  	s21 =	sadd.s32 $0x800, s21;
	v4 =	vld.idx.msk [tilespmem:v2+s22+$0x0 ss:$0x1], $0xffff;
	v3 =	vadd.f32 v5, v3  }
0x86: {  	_ =	sdelay $0x3  }
0x87: {  	vm0 =	veq.s32 v4, $0x0  }
0x88: {  	v2 =	vsel vm0, $0x0, v1  }
0x89: {  	v2 =	vadd.f32 v2, v3;
	_ =	sdelay $0x1  }
0x8a: {  	[tilespmem:s20+$0x10470] =	vst v2;
	s20 =	simm.s32 $0x32  }
.LBB2_23:
0x8b: {  	p0 =	sne.s32 s20, $0x1  }
.Ltmp10:
0x8c: {  	_ = 	snop;
	(pc) =	sbr.rel @p0 .LBB2_23-.Ltmp10, $4  }
0x8d: {  	_ = 	snop  }
0x8e: {  	_ =	swait.ge [sflag:s13], $0x2000  }
0x8f: {  	[sflag:s13] =	ssyncset.done $0x0  }
0x90: {  	s20 =	sadd.s32 $0xFFFFFFFF, s20;
	[sflag:s13] =	ssyncadd.s32 $0xFFFFE000  }
0x91: {  	v2 =	vmov s17;
	s20 =	simm.s32 $0x0;
	s21 =	simm.s32 $0x100  }
.LBB2_25:
0x92: {  	p0 =	sne.s32 s21, $0x7F00;
	v3 =	vld [tilespmem:s20+$0x6400];
	_ =	sdelay $0x4  }
0x93: {  	[tilespmem:v2+s20+$0x0 ss:$0x1] =	vst.idx.msk $0xffff, v3  }
0x94: {  	v3 =	vld [tilespmem:s20+$0x6410];
	_ =	sdelay $0x4  }
0x95: {  	[tilespmem:v2+s20+$0x10 ss:$0x1] =	vst.idx.msk $0xffff, v3  }
0x96: {  	v3 =	vld [tilespmem:s20+$0x6420];
	_ =	sdelay $0x4  }
0x97: {  	[tilespmem:v2+s20+$0x20 ss:$0x1] =	vst.idx.msk $0xffff, v3  }
0x98: {  	v3 =	vld [tilespmem:s20+$0x6430]  }
.Ltmp11:
0x99: {  	(pc) =	sbr.rel @p0 .LBB2_25-.Ltmp11, $2  }
0x9a: {  	_ =	sdelay $0x2  }
0x9b: {  	[tilespmem:v2+s20+$0x30 ss:$0x1] =	vst.idx.msk $0xffff, v3;
	s20 =	sshra.s32 s21, $0x2;
	s21 =	sadd.s32 $0x100, s21  }
0x9c: {  	v3 =	vld [tilespmem:s20+$0x6400];
	_ =	sdelay $0x4  }
0x9d: {  	[tilespmem:v2+s20+$0x0 ss:$0x1] =	vst.idx.msk $0xffff, v3  }
0x9e: {  	v3 =	vld [tilespmem:s20+$0x6410];
	_ =	sdelay $0x4  }
0x9f: {  	[tilespmem:v2+s20+$0x10 ss:$0x1] =	vst.idx.msk $0xffff, v3  }
0xa0: {  	v3 =	vld [tilespmem:s20+$0x6420];
	_ =	sdelay $0x4  }
0xa1: {  	s19 =	sadd.s32 $0x1, s19;
	[tilespmem:v2+s20+$0x20 ss:$0x1] =	vst.idx.msk $0xffff, v3  }
0xa2: {  	p0 =	sne.s32 s19, $0x4;
	v3 =	vld [tilespmem:s20+$0x6430]  }
.Ltmp12:
0xa3: {  	_ = 	snop;
	(pc) =	sbr.rel @p0 .LBB2_2-.Ltmp12, $2  }
0xa4: {  	_ =	sdelay $0x2  }
0xa5: {  	s18 =	sadd.s32 $0x80, s18;
	s17 =	sadd.s32 $0x2000, s17;
	[tilespmem:v2+s20+$0x30 ss:$0x1] =	vst.idx.msk $0xffff, v3  }
0xa6: {  	[hbm4b:s5+s2] =	stream.linear.scatter [tilespmem:s14], [sflag:$0x2], $0x8000, $0x38;
	[tilespmem:$0x10600] =	vst v63  }
0xa7: {  	s16 =	sadd.s32 $0x1, s16;
	_ =	swait.ge [sflag:s10], $0x8000  }
0xa8: {  	p0 =	sne.s32 s16, s7;
	[sflag:s10] =	ssyncset.done $0x0  }
.Ltmp13:
0xa9: {  	[sflag:s10] =	ssyncadd.s32 $0xFFFF8000;
	(pc) =	sbr.rel @p0 .LBB2_1-.Ltmp13, $4  }
0xaa: {  	[hbm4b:s6+s2] =	stream.linear.scatter [tilespmem:s15], [sflag:$0x2], $0x200, $0x38;
	[tilespmem:$0x10600] =	vst v63  }
0xab: {  	_ =	swait.ge [sflag:s10], $0x200  }
0xac: {  	[sflag:s10] =	ssyncset.done $0x0  }
0xad: {  	[sflag:s10] =	ssyncadd.s32 $0xFFFFFE00  }
0xae: {  	_ =	sfence.sel $0x180000  }
0xaf: {  	[bflag:$0x0] =	sbarrier.arrive $0xFFFF  }
0xb0: {  	p0 =	sne.s32 s1, $0x0;
	_ =	strace $0x90000047  }
0xb1: {  	s0 =	sadd.s32 @!p0 $0x100000, s0;
	[bflag:$0x2] =	sbarrier.arrive $0xFFFF  }
0xb2: {  	[sflag:s0] =	ssyncadd.tile.s32 @!p0 $0x1;
	_ =	shalt  }
.Lfunc_end2:
_tile_overlayer_lowered:
.L_overlay_start_2:
0xb3: {  	(tag) =	ssettag $0x2  }
0xb4: {  	s0 =	rddreg [dreg:$0x0];
	s2 =	stileid.u32  }
0xb5: {  	s1 =	rddreg [dreg:$0x1];
	p0 =	sne.s32 s2, $0x0  }
0xb6: {  	s3 =	rddreg [dreg:$0x2];
	[bflag:$0x3] =	sbarrier.arrive $0xFFFF;
	s2 =	simm.s32 @!p0 $0x1C02  }
0xb7: {  	[timem:s3], [sflag:s2] =	dma.local @!p0 [hbm:s0], s1  }
0xb8: {  	s0 =	simm.s32 @!p0 $0x2  }
0xb9: {  	_ =	swait.ge @!p0 [sflag:s0], s1  }
0xba: {  	s1 =	ssub.s32 @!p0 $0x0, s1;
	[sflag:s0] =	ssyncset.done @!p0 $0x0  }
0xbb: {  	[sflag:s0] =	ssyncadd.s32 @!p0 s1  }
0xbc: {  	[bflag:$0x3] =	sbarrier.arrive $0xFFFF  }
0xbd: {  	_ =	shalt  }

// kernel: kernel.7.cloned.1.call-start
scs
__scs_entry_jumppad:
0x0: {  	(pc) =	sbr.rel $0x88, $3  }
0x1: {  	(tag) =	ssettag $0x0;
	lr =	simm.s32 $0x1  }
0x2: {  	[smem:$0x3F9A] =	sst lr;
	_ =	strace $0xD0000000  }
0x3: {  	_ = 	snop  }
0x4: {  	_ = 	snop  }
0x5: {  	_ = 	snop  }
0x6: {  	_ = 	snop  }
0x7: {  	_ = 	snop  }
__scs_overlays_trampoline_lowered:
0x8: {  	[smem:$0x3FA9] =	sst s0  }
0x9: {  	[smem:$0x3FAA] =	sst s1  }
0xa: {  	[smem:$0x3FAB] =	sst s2  }
0xb: {  	[smem:$0x3FAC] =	sst s3  }
0xc: {  	[smem:$0x3FAD] =	sst s4  }
0xd: {  	[smem:$0x3FAE] =	sst s5  }
0xe: {  	[smem:$0x3FAF] =	sst s6  }
0xf: {  	[smem:$0x3FB0] =	sst s7  }
0x10: {  	[smem:$0x3FB1] =	sst s8  }
0x11: {  	[smem:$0x3FB2] =	sst s9;
	s0 =	simm.s32 @!p0 $0x0  }
0x12: {  	s1 =	sld [smem:$0x3F98];
	s0 =	simm.s32 @p0 $0x1  }
0x13: {  	[smem:$0x3FB3] =	sst s0;
	s0 =	simm.s32 @!p1 $0x0  }
0x14: {  	s2 =	sld [smem:$0x3F97];
	s0 =	simm.s32 @p1 $0x1  }
0x15: {  	[smem:$0x3FB4] =	sst s0;
	s0 =	simm.s32 @!p2 $0x0  }
0x16: {  	s3 =	sld [smem:$0x3FDB];
	s0 =	simm.s32 @p2 $0x1  }
0x17: {  	s4 =	simm.s32 $0x1BF5;
	[smem:$0x3FB6] =	sst s0  }
0x18: {  	s0 =	sld [smem:$0x3F99];
	_ =	swait.ge [sflag:s4], $0x0  }
0x19: {  	s7 =	sld [smem:$0x3F9A]  }
0x1a: {  	s8 =	sadd.s32 $0xFFFFE003, lr  }
0x1b: {  	s9 =	sadd.s32 $0xFFFFFEF7, lr;
	s5 =	simm.s32 $0xFFFFFFFF;
	p2 =	slt.u32 s8, $0xFFFFF086  }
0x1c: {  	p1 =	slt.u32 s9, $0xF7A;
	s5 =	simm.s32 @!p2 $0x0  }
0x1d: {  	s5 =	simm.s32 @p1 $0x1;
	p0 =	seq.s32 s7, s2  }
0x1e: {  	s7 =	smul.u32 @!p0 $0xF7A, s2;
	p2 =	seq.s32 @!p0 s5, $0x0  }
0x1f: {  	s9 =	smul.u32 $0xF7A, s1;
	s8 =	simm.s32 @!p0 $0x1BF5;
	p2 =	por !p2, p0  }
0x20: {  	[sflag:s8] =	ssyncset.s32 @!p0 $0xFFFFF086;
	s6 =	sadd.s32 @!p0 s3, s7;
	s7 =	simm.s32 @!p0 $0x108  }
0x21: {  	s3 =	sadd.s32 s3, s9;
	s6 =	sadd.s32 @!p0 $0x88, s6;
	s7 =	simm.s32 @p2 $0x1082  }
0x22: {  	[simem:s7], [sflag:s8] =	dma.local @!p0 [hbm:s6], $0xF7A  }
0x23: {  	s9 =	sor.u32 $0xD0000000, s2;
	s6 =	simm.s32 $0x108;
	_ =	swait.ge @!p0 [sflag:s8], $0x0  }
0x24: {  	s3 =	sadd.s32 $0x88, s3;
	s6 =	simm.s32 @!p1 $0x1082;
	[sflag:s4] =	ssyncset.s32 $0xFFFFF086  }
0x25: {  	[simem:s6], [sflag:s4] =	dma.local [hbm:s3], $0xF7A  }
0x26: {  	[smem:$0x3F9A] =	sst s1;
	(tag) =	ssettag s2;
	_ =	strace s9  }
0x27: {  	s1 =	sld [smem:$0x3FAA]  }
0x28: {  	s2 =	sld [smem:$0x3FAB]  }
0x29: {  	s4 =	sld [smem:$0x3FAD]  }
0x2a: {  	p0 =	seq.s32 s5, $0x0;
	s5 =	sld [smem:$0x3FAE]  }
0x2b: {  	s6 =	sld [smem:$0x3FAF]  }
0x2c: {  	s7 =	sld [smem:$0x3FB0]  }
0x2d: {  	s3 =	simm.s32 $0x108;
	s8 =	sld [smem:$0x3FB1]  }
0x2e: {  	s3 =	simm.s32 @!p0 $0x1082;
	s9 =	sld [smem:$0x3FB2]  }
0x2f: {  	lr =	sadd.s32 s0, s3;
	s0 =	sld [smem:$0x3FA9]  }
0x30: {  	s3 =	sld [smem:$0x3FAC]  }
0x31: {  	[smem:$0x3FB5] =	sst s10  }
0x32: {  	s10 =	sld [smem:$0x3FB3];
	_ =	sdelay $0x3  }
0x33: {  	p0 =	seq.s32 s10, $0x1;
	s10 =	sld [smem:$0x3FB5];
	_ =	sdelay $0x3  }
0x34: {  	[smem:$0x3FB5] =	sst s10  }
0x35: {  	s10 =	sld [smem:$0x3FB4];
	_ =	sdelay $0x3  }
0x36: {  	p1 =	seq.s32 s10, $0x1;
	s10 =	sld [smem:$0x3FB5];
	_ =	sdelay $0x3  }
0x37: {  	[smem:$0x3FB5] =	sst s10  }
0x38: {  	s10 =	sld [smem:$0x3FB6]  }
0x39: {  	_ = 	snop;
	(pc) =	sbr.ind lr, $3  }
0x3a: {  	_ = 	snop  }
0x3b: {  	_ = 	snop  }
0x3c: {  	p2 =	seq.s32 s10, $0x1;
	s10 =	sld [smem:$0x3FB5]  }
0x3d: {  	_ =	shalt  }
0x3e: {  	_ =	shalt  }
0x3f: {  	_ =	shalt  }
0x40: {  	_ =	shalt  }
0x41: {  	_ =	shalt  }
0x42: {  	_ =	shalt  }
0x43: {  	_ =	shalt  }
0x44: {  	_ =	shalt  }
0x45: {  	_ =	shalt  }
0x46: {  	_ =	shalt  }
0x47: {  	_ =	shalt  }
0x48: {  	_ =	shalt  }
0x49: {  	_ =	shalt  }
0x4a: {  	_ =	shalt  }
0x4b: {  	_ =	shalt  }
0x4c: {  	_ =	shalt  }
0x4d: {  	_ =	shalt  }
0x4e: {  	_ =	shalt  }
0x4f: {  	_ =	shalt  }
0x50: {  	_ =	shalt  }
0x51: {  	_ =	shalt  }
0x52: {  	_ =	shalt  }
0x53: {  	_ =	shalt  }
0x54: {  	_ =	shalt  }
0x55: {  	_ =	shalt  }
0x56: {  	_ =	shalt  }
0x57: {  	_ =	shalt  }
0x58: {  	_ =	shalt  }
0x59: {  	_ =	shalt  }
0x5a: {  	_ =	shalt  }
0x5b: {  	_ =	shalt  }
0x5c: {  	_ =	shalt  }
0x5d: {  	_ =	shalt  }
0x5e: {  	_ =	shalt  }
0x5f: {  	_ =	shalt  }
0x60: {  	_ =	shalt  }
0x61: {  	_ =	shalt  }
0x62: {  	_ =	shalt  }
0x63: {  	_ =	shalt  }
0x64: {  	_ =	shalt  }
0x65: {  	_ =	shalt  }
0x66: {  	_ =	shalt  }
0x67: {  	_ =	shalt  }
0x68: {  	_ =	shalt  }
0x69: {  	_ =	shalt  }
0x6a: {  	_ =	shalt  }
0x6b: {  	_ =	shalt  }
0x6c: {  	_ =	shalt  }
0x6d: {  	_ =	shalt  }
0x6e: {  	_ =	shalt  }
0x6f: {  	_ =	shalt  }
0x70: {  	_ =	shalt  }
0x71: {  	_ =	shalt  }
0x72: {  	_ =	shalt  }
0x73: {  	_ =	shalt  }
0x74: {  	_ =	shalt  }
0x75: {  	_ =	shalt  }
0x76: {  	_ =	shalt  }
0x77: {  	_ =	shalt  }
0x78: {  	_ =	shalt  }
0x79: {  	_ =	shalt  }
0x7a: {  	_ =	shalt  }
0x7b: {  	_ =	shalt  }
0x7c: {  	_ =	shalt  }
0x7d: {  	_ =	shalt  }
0x7e: {  	_ =	shalt  }
0x7f: {  	_ =	shalt  }
0x80: {  	_ =	shalt  }
0x81: {  	_ =	shalt  }
0x82: {  	_ =	shalt  }
0x83: {  	_ =	shalt  }
0x84: {  	_ =	shalt  }
0x85: {  	_ =	shalt  }
0x86: {  	_ =	shalt  }
0x87: {  	_ =	shalt  }
.Lfunc_end0:
.L_simem_size_0:
called_computation.1_lowered:
.L_overlay_start_0:
0x88: {  	s2 =	sld [smem:$0x3FD9]  }
0x89: {  	s3 =	sld [smem:$0x3FFE];
	_ =	sdelay $0x1  }
0x8a: {  	s1 =	srdreg.scid  }
0x8b: {  	s0 =	sand.u32 $0x1, s1  }
0x8c: {  	s17 =	sshll.u32 s0, $0xA;
	s2 =	sadd.s32 s3, s2  }
0x8d: {  	s2 =	sadd.s32 s2, s17  }
0x8e: {  	[smem:$0x3FC1] =	sst s2  }
0x8f: {  	_ = 	snop  }
0x90: {  	s2 =	sld [smem:$0x3FC9]  }
0x91: {  	s18 =	sld [smem:$0x3FC8]  }
0x92: {  	s4 =	sld [smem:$0x3FD0];
	(tm) =	ssettm $0x1  }
0x93: {  	s5 =	sld [smem:$0x3FFB];
	_ =	sdelay $0x3  }
0x94: {  	_ =	strace s5  }
0x95: {  	s5 =	sld [smem:$0x3FFC];
	_ =	sdelay $0x3  }
0x96: {  	_ =	strace s5  }
0x97: {  	s5 =	sld [smem:$0x3FFD];
	_ =	sdelay $0x3  }
0x98: {  	_ =	strace s5  }
0x99: {  	_ =	strace $0x8FFFFFFF  }
0x9a: {  	s19 =	sld [smem:$0x3FDB];
	_ =	sdelay $0x1  }
0x9b: {  	s6 =	simm.s32 $_scs_section_size  }
0x9c: {  	s7 =	simm.s32 $_size__tile_overlayer_lowered;
	s8 =	simm.s32 $_tile_overlayer_lowered  }
0x9d: {  	s22 =	simm.s32 $0x1BFF;
	s21 =	sshll.u32 s8, $0x1;
	s5 =	sadd.s32 s6, s19  }
0x9e: {  	s9 =	simm.s32 $0x0;
	s20 =	sshll.u32 s7, $0x1;
	s7 =	sadd.s32 s21, s5  }
0x9f: {  	[timem:s9], [sflag:s22] =	dma.local [hbm:s7], s20  }
0xa0: {  	_ =	swait.ge [sflag:s22], s20  }
0xa1: {  	s6 =	ssub.s32 $0x0, s20;
	[sflag:s22] =	ssyncset.done $0x0  }
0xa2: {  	[sflag:s22] =	ssyncadd.s32 s6;
	_ =	sdelay $0x1  }
0xa3: {  	s23 =	simm.s32 $0x1B8B  }
0xa4: {  	_ =	swait.ge [sflag:s23], $0x1  }
0xa5: {  	[sflag:s23] =	ssyncset.done $0x0  }
0xa6: {  	s25 =	simm.s32 $0x1B8E;
	s24 =	sld [smem:$0x3FFE];
	[sflag:s23] =	ssyncadd.s32 $0xFFFFFFFF  }
0xa7: {  	s26 =	simm.s32 $execute0_lowered;
	[smem:$0x3FD2] =	sst s25  }
0xa8: {  	s7 =	sshll.u32 s26, $0x1;
	_ =	strace $0x80000049;
	[dreg:$0x1] =	wrdreg $0xFFFFFFFF  }
0xa9: {  	s28 =	simm.s32 $_size_execute0_lowered;
	s5 =	sadd.s32 s5, s7;
	[dreg:$0x0] =	wrdreg $0x0  }
0xaa: {  	s7 =	sshll.u32 s28, $0x1;
	[dreg:$0x2] =	wrdreg s5  }
0xab: {  	[dreg:$0x3] =	wrdreg s7  }
0xac: {  	[dreg:$0x4] =	wrdreg $0xC0  }
0xad: {  	_ =	task [dreg:s9], $0x5FFFF  }
0xae: {  	[dreg:$0x1] =	wrdreg $0xFFFFFFFF  }
0xaf: {  	[dreg:$0x0] =	wrdreg $0x60  }
0xb0: {  	[dreg:$0x2] =	wrdreg s2  }
0xb1: {  	[dreg:$0x3] =	wrdreg s18  }
0xb2: {  	[dreg:$0x4] =	wrdreg s24  }
0xb3: {  	[dreg:$0x5] =	wrdreg s4  }
0xb4: {  	[dreg:$0x6] =	wrdreg $0x9  }
0xb5: {  	_ =	task.clear_ibuf [dreg:s9], $0x7FFFF;
	_ =	strace $0x90000049  }
0xb6: {  	s29 =	simm.s32 $0x9;
	_ =	strace $0x8000004B  }
0xb7: {  	_ =	swait.ge [sflag:s29], $0x1  }
0xb8: {  	[sflag:s29] =	ssyncadd.s32 $0xFFFFFFFF  }
0xb9: {  	_ =	strace $0x9000004B  }
0xba: {  	_ =	sfence  }
0xbb: {  	s30 =	sld [smem:$0x0];
	_ =	sdelay $0x2  }
0xbc: {  	s31 =	sshll.u32 s1, $0xD;
	s1 =	sshrl.u32 s1, $0x2  }
0xbd: {  	s3 =	sand.u32 $0x4000, s31;
	s1 =	sadd.s32 s1, s30  }
0xbe: {  	s0 =	sor.u32 s3, s0;
	s1 =	sshll.u32 s1, $0x11  }
0xbf: {  	s0 =	sor.u32 s1, s0  }
0xc0: {  	s0 =	sadd.s32 $0x8F2B, s0  }
0xc1: {  	[sflag:s0] =	ssyncadd.remote.s32 $0x1  }
0xc2: {  	_ =	sfence.sel $0xFFFF  }
0xc3: {  	[dreg:$0x0] =	wrdreg $0xFFFFFFFF;
	(pc) =	sbr.abs _section_cstart, $3  }
0xc4: {  	[dreg:$0x1] =	wrdreg $0xFFFFFFFF  }
0xc5: {  	_ =	task.clear_ibuf [dreg:s9], $0x2FFFF;
	_ =	strace $0x9FFFFFFF  }
0xc6: {  	(tm) =	ssettm $0x7FFFFFFF  }
0xc7: {  	_ =	shalt  }
tec
execute0_lowered:
.L_overlay_start_1:
0x0: {  	(tag) =	ssettag $0x1  }
0x1: {  	s0 =	rddreg [dreg:$0x0]  }
0x2: {  	s1 =	rddreg [dreg:$0x1]  }
0x3: {  	s8 =	rddreg [dreg:$0x2]  }
0x4: {  	s9 =	rddreg [dreg:$0x3];
	s2 =	simm.s32 $0x0;
	s3 =	srdreg.scid  }
0x5: {  	s4 =	stileid.u32;
	s13 =	simm.s32 $0x2;
	s16 =	simm.s32 $0xC400  }
0x6: {  	s17 =	simm.s32 $0x1;
	s6 =	sand.u32 $0x1, s3;
	s3 =	sadd.s32 $0x16E4800, s8  }
0x7: {  	[smem:$0x7FF] =	sst s2;
	s5 =	sshll.u32 s4, $0xA;
	s4 =	sadd.s32 $0x2626E00, s8  }
0x8: {  	s19 =	simm.s32 $0x0;
	_ =	strace $0x8000004A;
	s7 =	sshll.u32 s6, $0x9  }
0x9: {  	s10 =	ssub.s32 $0x2, s6;
	s6 =	sadd.s32 $0x3569400, s8;
	s5 =	sor.u32 s7, s5  }
0xa: {  	s12 =	sshrl.u32 s10, $0x1;
	s7 =	sadd.s32 $0x19E00, s8;
	s11 =	sshrl.u32 s5, $0x3  }
0xb: {  	s12 =	ssub.s32 s10, s12;
	s8 =	sadd.s32 s11, s8;
	s0 =	sadd.s32 s0, s11  }
0xc: {  	s31 =	sadd.s32 s1, s11;
	s11 =	sadd.s32 s9, s11;
	[dreg:$0x5] =	wrdreg s0  }
0xd: {  	v0 =	vimm.f32 $0.0e+00;
	v1 =	vlaneseq.u32;
	s12 =	smax.u32 s12, $0x1;
	[dreg:$0x6] =	wrdreg s31;
	s10 =	sadd.s32 $0x39E00, s8  }
.LBB2_1:
0xe: {  	s0 =	rddreg [dreg:$0x5]  }
0xf: {  	[tilespmem:s2], [sflag:$0x2] =	stream.linear.gather [hbm4b:s0+s2], $0x200, $0x38;
	[tilespmem:$0xE800] =	vst v63  }
0x10: {  	_ =	swait.ge [sflag:s13], $0x200  }
0x11: {  	[sflag:s13] =	ssyncset.done $0x0  }
0x12: {  	s1 =	simm.s32 $0x200;
	s28 =	rddreg [dreg:$0x6];
	[sflag:s13] =	ssyncadd.s32 $0xFFFFFE00  }
0x13: {  	[tilespmem:s1], [sflag:$0x2] =	stream.linear.gather [hbm4b:s28+s2], $0x200, $0x38;
	[tilespmem:$0xE800] =	vst v63  }
0x14: {  	_ =	swait.ge [sflag:s13], $0x200  }
0x15: {  	[sflag:s13] =	ssyncset.done $0x0  }
0x16: {  	s29 =	simm.s32 $0xE400;
	[sflag:s13] =	ssyncadd.s32 $0xFFFFFE00  }
0x17: {  	[tilespmem:s29], [sflag:$0x2] =	stream.linear.gather [hbm4b:s10+s2], $0x200, $0x38;
	[tilespmem:$0xE800] =	vst v63  }
0x18: {  	_ =	swait.ge [sflag:s13], $0x200  }
0x19: {  	[sflag:s13] =	ssyncset.done $0x0  }
0x1a: {  	s20 =	simm.s32 $0x0;
	[sflag:s13] =	ssyncadd.s32 $0xFFFFFE00  }
0x1b: {  	v4 =	vld [tilespmem:s20+$0x0]  }
0x1c: {  	v5 =	vld [tilespmem:s20+$0x200];
	_ =	sdelay $0x3  }
0x1d: {  	(v2sf) =	vpush v4, $0x0  }
0x1e: {  	(v2sf) =	vpush v5, $0x0;
	_ =	sdelay $0x1  }
0x1f: {  	(v2sf) =	vpush v4, $0x1  }
0x20: {  	(v2sf) =	vpush v5, $0x1  }
0x21: {  	(v2sf) =	vpush v4, $0x2  }
0x22: {  	(v2sf) =	vpush v5, $0x2  }
0x23: {  	(v2sf) =	vpush v4, $0x3  }
0x24: {  	(v2sf) =	vpush v5, $0x3  }
0x25: {  	(v2sf) =	vpush v4, $0x4  }
0x26: {  	(v2sf) =	vpush v5, $0x4  }
0x27: {  	(v2sf) =	vpush v4, $0x5  }
0x28: {  	(v2sf) =	vpush v5, $0x5  }
0x29: {  	(v2sf) =	vpush v4, $0x6  }
0x2a: {  	(v2sf) =	vpush v5, $0x6  }
0x2b: {  	(v2sf) =	vpush v4, $0x7;
	s30 =	spop (v2sf)  }
0x2c: {  	(v2sf) =	vpush v5, $0x7;
	[smem:s20] =	sst s30;
	s31 =	spop (v2sf)  }
0x2d: {  	(v2sf) =	vpush v4, $0x8;
	[smem:$0x200] =	sst s31  }
0x2e: {  	s0 =	spop (v2sf)  }
0x2f: {  	(v2sf) =	vpush v5, $0x8;
	[smem:$0x1] =	sst s0  }
0x30: {  	s0 =	spop (v2sf)  }
0x31: {  	(v2sf) =	vpush v4, $0x9;
	[smem:$0x201] =	sst s0  }
0x32: {  	s0 =	spop (v2sf)  }
0x33: {  	(v2sf) =	vpush v5, $0x9;
	[smem:$0x2] =	sst s0  }
0x34: {  	s0 =	spop (v2sf)  }
0x35: {  	(v2sf) =	vpush v4, $0xA;
	[smem:$0x202] =	sst s0  }
0x36: {  	s0 =	spop (v2sf)  }
0x37: {  	(v2sf) =	vpush v5, $0xA;
	[smem:$0x3] =	sst s0  }
0x38: {  	s0 =	spop (v2sf)  }
0x39: {  	(v2sf) =	vpush v4, $0xB;
	[smem:$0x203] =	sst s0  }
0x3a: {  	s0 =	spop (v2sf)  }
0x3b: {  	(v2sf) =	vpush v5, $0xB;
	[smem:$0x4] =	sst s0  }
0x3c: {  	s0 =	spop (v2sf)  }
0x3d: {  	(v2sf) =	vpush v4, $0xC;
	[smem:$0x204] =	sst s0  }
0x3e: {  	s0 =	spop (v2sf)  }
0x3f: {  	(v2sf) =	vpush v5, $0xC;
	[smem:$0x5] =	sst s0  }
0x40: {  	s0 =	spop (v2sf)  }
0x41: {  	(v2sf) =	vpush v4, $0xD;
	[smem:$0x205] =	sst s0  }
0x42: {  	s21 =	simm.s32 $0x10;
	s0 =	spop (v2sf)  }
0x43: {  	(v2sf) =	vpush v5, $0xD;
	v2 =	vld [tilespmem:s21+$0x0];
	[smem:$0x6] =	sst s0  }
0x44: {  	s0 =	spop (v2sf)  }
0x45: {  	(v2sf) =	vpush v4, $0xE;
	v3 =	vld [tilespmem:s21+$0x200];
	[smem:$0x206] =	sst s0  }
0x46: {  	s0 =	spop (v2sf)  }
0x47: {  	(v2sf) =	vpush v5, $0xE;
	[smem:$0x7] =	sst s0  }
0x48: {  	s0 =	spop (v2sf)  }
0x49: {  	(v2sf) =	vpush v4, $0xF;
	[smem:$0x207] =	sst s0  }
0x4a: {  	s0 =	spop (v2sf)  }
0x4b: {  	(v2sf) =	vpush v5, $0xF;
	[smem:$0x8] =	sst s0  }
0x4c: {  	s0 =	spop (v2sf)  }
0x4d: {  	(v2sf) =	vpush v2, $0x0;
	[smem:$0x208] =	sst s0  }
0x4e: {  	s0 =	spop (v2sf)  }
0x4f: {  	(v2sf) =	vpush v3, $0x0;
	[smem:$0x9] =	sst s0  }
0x50: {  	s0 =	spop (v2sf)  }
0x51: {  	(v2sf) =	vpush v2, $0x1;
	[smem:$0x209] =	sst s0  }
0x52: {  	s0 =	spop (v2sf)  }
0x53: {  	(v2sf) =	vpush v3, $0x1;
	[smem:$0xA] =	sst s0  }
0x54: {  	s0 =	spop (v2sf)  }
0x55: {  	(v2sf) =	vpush v2, $0x2;
	[smem:$0x20A] =	sst s0  }
0x56: {  	s0 =	spop (v2sf)  }
0x57: {  	(v2sf) =	vpush v3, $0x2;
	[smem:$0xB] =	sst s0  }
0x58: {  	s0 =	spop (v2sf)  }
0x59: {  	(v2sf) =	vpush v2, $0x3;
	[smem:$0x20B] =	sst s0  }
0x5a: {  	s0 =	spop (v2sf)  }
0x5b: {  	(v2sf) =	vpush v3, $0x3;
	[smem:$0xC] =	sst s0  }
0x5c: {  	s0 =	spop (v2sf)  }
0x5d: {  	(v2sf) =	vpush v2, $0x4;
	[smem:$0x20C] =	sst s0  }
0x5e: {  	s0 =	spop (v2sf)  }
0x5f: {  	(v2sf) =	vpush v3, $0x4;
	[smem:$0xD] =	sst s0  }
0x60: {  	s0 =	spop (v2sf)  }
0x61: {  	(v2sf) =	vpush v2, $0x5;
	[smem:$0x20D] =	sst s0  }
0x62: {  	s0 =	spop (v2sf)  }
0x63: {  	(v2sf) =	vpush v3, $0x5;
	[smem:$0xE] =	sst s0  }
0x64: {  	s0 =	spop (v2sf)  }
0x65: {  	(v2sf) =	vpush v2, $0x6;
	[smem:$0x20E] =	sst s0  }
0x66: {  	s0 =	spop (v2sf)  }
0x67: {  	(v2sf) =	vpush v3, $0x6;
	[smem:$0xF] =	sst s0  }
0x68: {  	s22 =	simm.s32 $0x80;
	s0 =	spop (v2sf)  }
.LBB2_2:
0x69: {  	p0 =	sne.s32 s22, $0x7C0;
	[smem:s20+$0x20F] =	sst s0  }
0x6a: {  	(v2sf) =	vpush v2, $0x7;
	s0 =	smov.u32 s22;
	s22 =	sadd.s32 $0x40, s22;
	s20 =	smov.u32 s21  }
0x6b: {  	s1 =	spop (v2sf);
	(v2sf) =	vpush v3, $0x7  }
0x6c: {  	[smem:s20] =	sst s1;
	s1 =	spop (v2sf);
	(v2sf) =	vpush v2, $0x8  }
0x6d: {  	[smem:s20+$0x200] =	sst s1;
	s1 =	spop (v2sf);
	(v2sf) =	vpush v3, $0x8  }
0x6e: {  	[smem:s20+$0x1] =	sst s1;
	s1 =	spop (v2sf);
	(v2sf) =	vpush v2, $0x9  }
0x6f: {  	[smem:s20+$0x201] =	sst s1;
	s1 =	spop (v2sf);
	(v2sf) =	vpush v3, $0x9  }
0x70: {  	[smem:s20+$0x2] =	sst s1;
	s1 =	spop (v2sf);
	(v2sf) =	vpush v2, $0xA  }
0x71: {  	[smem:s20+$0x202] =	sst s1;
	s1 =	spop (v2sf);
	(v2sf) =	vpush v3, $0xA  }
0x72: {  	[smem:s20+$0x3] =	sst s1;
	s1 =	spop (v2sf);
	(v2sf) =	vpush v2, $0xB  }
0x73: {  	[smem:s20+$0x203] =	sst s1;
	s1 =	spop (v2sf);
	(v2sf) =	vpush v3, $0xB  }
0x74: {  	[smem:s20+$0x4] =	sst s1;
	s1 =	spop (v2sf);
	(v2sf) =	vpush v2, $0xC  }
0x75: {  	[smem:s20+$0x204] =	sst s1;
	s1 =	spop (v2sf);
	(v2sf) =	vpush v3, $0xC  }
0x76: {  	[smem:s20+$0x5] =	sst s1;
	s1 =	spop (v2sf);
	(v2sf) =	vpush v2, $0xD  }
0x77: {  	s21 =	sshra.s32 s0, $0x2;
	[smem:s20+$0x205] =	sst s1;
	s0 =	spop (v2sf);
	(v2sf) =	vpush v3, $0xD  }
0x78: {  	v4 =	vld [tilespmem:s21+$0x0];
	[smem:s20+$0x6] =	sst s0;
	s0 =	spop (v2sf);
	(v2sf) =	vpush v2, $0xE  }
0x79: {  	v5 =	vld [tilespmem:s21+$0x200];
	[smem:s20+$0x206] =	sst s0;
	s0 =	spop (v2sf);
	(v2sf) =	vpush v3, $0xE  }
0x7a: {  	[smem:s20+$0x7] =	sst s0;
	s0 =	spop (v2sf);
	(v2sf) =	vpush v2, $0xF  }
0x7b: {  	[smem:s20+$0x207] =	sst s0;
	s0 =	spop (v2sf);
	(v2sf) =	vpush v3, $0xF  }
0x7c: {  	[smem:s20+$0x8] =	sst s0;
	s0 =	spop (v2sf)  }
0x7d: {  	(v2sf) =	vpush v4, $0x0;
	[smem:s20+$0x208] =	sst s0;
	s0 =	spop (v2sf);
	v2 =	vmov v4  }
0x7e: {  	(v2sf) =	vpush v5, $0x0;
	[smem:s20+$0x9] =	sst s0;
	s0 =	spop (v2sf);
	v3 =	vmov v5  }
0x7f: {  	(v2sf) =	vpush v2, $0x1;
	[smem:s20+$0x209] =	sst s0;
	s0 =	spop (v2sf)  }
0x80: {  	(v2sf) =	vpush v3, $0x1;
	[smem:s20+$0xA] =	sst s0;
	s0 =	spop (v2sf)  }
0x81: {  	(v2sf) =	vpush v2, $0x2;
	[smem:s20+$0x20A] =	sst s0;
	s0 =	spop (v2sf)  }
0x82: {  	(v2sf) =	vpush v3, $0x2;
	[smem:s20+$0xB] =	sst s0;
	s0 =	spop (v2sf)  }
0x83: {  	(v2sf) =	vpush v2, $0x3;
	[smem:s20+$0x20B] =	sst s0;
	s0 =	spop (v2sf)  }
0x84: {  	(v2sf) =	vpush v3, $0x3;
	[smem:s20+$0xC] =	sst s0;
	s0 =	spop (v2sf)  }
0x85: {  	(v2sf) =	vpush v2, $0x4;
	[smem:s20+$0x20C] =	sst s0;
	s0 =	spop (v2sf)  }
0x86: {  	[smem:s20+$0xD] =	sst s0  }
.Ltmp0:
0x87: {  	(v2sf) =	vpush v3, $0x4;
	s0 =	spop (v2sf);
	(pc) =	sbr.rel @p0 .LBB2_2-.Ltmp0, $4  }
0x88: {  	(v2sf) =	vpush v2, $0x5;
	[smem:s20+$0x20D] =	sst s0;
	s0 =	spop (v2sf)  }
0x89: {  	(v2sf) =	vpush v3, $0x5;
	[smem:s20+$0xE] =	sst s0;
	s0 =	spop (v2sf)  }
0x8a: {  	(v2sf) =	vpush v2, $0x6;
	[smem:s20+$0x20E] =	sst s0;
	s0 =	spop (v2sf)  }
0x8b: {  	(v2sf) =	vpush v3, $0x6;
	[smem:s20+$0xF] =	sst s0;
	s0 =	spop (v2sf)  }
0x8c: {  	(v2sf) =	vpush v2, $0x7  }
0x8d: {  	[smem:s20+$0x20F] =	sst s0;
	s1 =	spop (v2sf);
	(v2sf) =	vpush v3, $0x7  }
0x8e: {  	[smem:s21] =	sst s1;
	s8 =	spop (v2sf);
	(v2sf) =	vpush v2, $0x8  }
0x8f: {  	[smem:s21+$0x200] =	sst s8;
	s9 =	spop (v2sf);
	(v2sf) =	vpush v3, $0x8  }
0x90: {  	[smem:s21+$0x1] =	sst s9;
	s14 =	spop (v2sf);
	(v2sf) =	vpush v2, $0x9  }
0x91: {  	[smem:s21+$0x201] =	sst s14;
	s15 =	spop (v2sf);
	(v2sf) =	vpush v3, $0x9  }
0x92: {  	[smem:s21+$0x2] =	sst s15;
	s18 =	spop (v2sf);
	(v2sf) =	vpush v2, $0xA  }
0x93: {  	[smem:s21+$0x202] =	sst s18;
	s20 =	spop (v2sf);
	(v2sf) =	vpush v3, $0xA  }
0x94: {  	[smem:s21+$0x3] =	sst s20;
	s22 =	spop (v2sf);
	(v2sf) =	vpush v2, $0xB  }
0x95: {  	[smem:s21+$0x203] =	sst s22;
	s23 =	spop (v2sf);
	(v2sf) =	vpush v3, $0xB  }
0x96: {  	[smem:s21+$0x4] =	sst s23;
	s24 =	spop (v2sf);
	(v2sf) =	vpush v2, $0xC  }
0x97: {  	[smem:s21+$0x204] =	sst s24;
	s25 =	spop (v2sf);
	(v2sf) =	vpush v3, $0xC  }
0x98: {  	[smem:s21+$0x5] =	sst s25;
	s26 =	spop (v2sf);
	(v2sf) =	vpush v2, $0xD  }
0x99: {  	[smem:s21+$0x205] =	sst s26;
	s28 =	spop (v2sf);
	(v2sf) =	vpush v3, $0xD  }
0x9a: {  	[smem:s21+$0x6] =	sst s28;
	s29 =	spop (v2sf);
	(v2sf) =	vpush v2, $0xE  }
0x9b: {  	[smem:s21+$0x206] =	sst s29;
	s30 =	spop (v2sf);
	(v2sf) =	vpush v3, $0xE  }
0x9c: {  	[smem:s21+$0x7] =	sst s30;
	s31 =	spop (v2sf);
	(v2sf) =	vpush v2, $0xF  }
0x9d: {  	[smem:s21+$0x207] =	sst s31;
	s1 =	spop (v2sf);
	(v2sf) =	vpush v3, $0xF  }
0x9e: {  	[smem:s21+$0x8] =	sst s1;
	s8 =	spop (v2sf)  }
0x9f: {  	[smem:s21+$0x208] =	sst s8;
	s9 =	spop (v2sf)  }
0xa0: {  	[smem:s21+$0x9] =	sst s9;
	s14 =	spop (v2sf)  }
0xa1: {  	[smem:s21+$0x209] =	sst s14;
	s15 =	spop (v2sf)  }
0xa2: {  	[smem:s21+$0xA] =	sst s15;
	s18 =	spop (v2sf)  }
0xa3: {  	[smem:s21+$0x20A] =	sst s18;
	s20 =	spop (v2sf)  }
0xa4: {  	[smem:s21+$0xB] =	sst s20;
	s22 =	spop (v2sf)  }
0xa5: {  	[smem:s21+$0x20B] =	sst s22;
	s23 =	spop (v2sf)  }
0xa6: {  	[smem:s21+$0xC] =	sst s23;
	s24 =	spop (v2sf)  }
0xa7: {  	[smem:s21+$0x20C] =	sst s24;
	s25 =	spop (v2sf)  }
0xa8: {  	[smem:s21+$0xD] =	sst s25;
	s26 =	spop (v2sf)  }
0xa9: {  	[smem:s21+$0x20D] =	sst s26;
	s28 =	spop (v2sf)  }
0xaa: {  	[smem:s21+$0xE] =	sst s28;
	s29 =	spop (v2sf)  }
0xab: {  	s20 =	simm.s32 $0x0;
	[smem:s21+$0x20E] =	sst s29;
	s30 =	spop (v2sf)  }
0xac: {  	s22 =	simm.s32 $0x0;
	[smem:s21+$0xF] =	sst s30;
	s31 =	spop (v2sf)  }
0xad: {  	s23 =	simm.s32 $0x0;
	[smem:s21+$0x20F] =	sst s31;
	s21 =	simm.s32 $0x200  }
.LBB2_4:
0xae: {  	s24 =	sshll.u32 s23, $0x7  }
0xaf: {  	s0 =	sadd.s32 s5, s24  }
0xb0: {  	s8 =	sld [smem:s21+$0x0];
	s0 =	sshll.u32 s0, $0x3  }
0xb1: {  	s14 =	sld [smem:s22+$0x0];
	s1 =	simm.s32 $0x200;
	s0 =	sadd.s32 s7, s0  }
0xb2: {  	[tilespmem:s16], [sflag:$0x1] =	stream.linear.gather [hbm4b:s0+s20], $0x2000, $0x38;
	[tilespmem:$0xE800] =	vst v63  }
0xb3: {  	s9 =	smov.u32 s21;
	s15 =	simm.s32 $0x0;
	s0 =	sadd.s32 $0x1, s22  }
.LBB2_5:
0xb4: {  	p0 =	sne.s32 s1, $0xFE00;
	s14 =	sshll.u32 s14, $0x4;
	s9 =	sadd.s32 $0x1, s9  }
0xb5: {  	s15 =	sshra.s32 s15, $0x2;
	s8 =	sshll.u32 s8, $0x4;
	s14 =	sand.u32 $0x1FFFFFF0, s14  }
0xb6: {  	s18 =	sadd.s32 $0x400, s15;
	s25 =	sand.u32 $0x1FFFFFF0, s8;
	s14 =	sadd.s32 s3, s14  }
0xb7: {  	[tilespmem:s18], [sflag:$0x1] =	stream.linear.gather [hbm4b:s14+s2], $0x80, $0x38;
	[tilespmem:$0xE800] =	vst v63  }
0xb8: {  	s14 =	sadd.s32 $0x4400, s15  }
.Ltmp1:
0xb9: {  	s18 =	sadd.s32 s4, s25;
	s8 =	sld [smem:s9+$0x0];
	(pc) =	sbr.rel @p0 .LBB2_5-.Ltmp1, $4  }
0xba: {  	[tilespmem:s14], [sflag:$0x1] =	stream.linear.gather [hbm4b:s18+s2], $0x80, $0x38;
	[tilespmem:$0xE800] =	vst v63  }
0xbb: {  	s15 =	sadd.s32 $0x8400, s15;
	s18 =	sadd.s32 s6, s25;
	s14 =	sld [smem:s0+$0x0]  }
0xbc: {  	[tilespmem:s15], [sflag:$0x1] =	stream.linear.gather [hbm4b:s18+s2], $0x80, $0x38;
	[tilespmem:$0xE800] =	vst v63  }
0xbd: {  	s0 =	sadd.s32 $0x1, s0;
	s15 =	smov.u32 s1;
	s1 =	sadd.s32 $0x200, s1  }
0xbe: {  	s0 =	sshll.u32 s14, $0x4  }
0xbf: {  	s1 =	sshra.s32 s15, $0x2;
	s8 =	sshll.u32 s8, $0x4;
	s0 =	sand.u32 $0x1FFFFFF0, s0  }
0xc0: {  	s9 =	sadd.s32 $0x400, s1;
	s8 =	sand.u32 $0x1FFFFFF0, s8;
	s0 =	sadd.s32 s3, s0  }
0xc1: {  	[tilespmem:s9], [sflag:$0x1] =	stream.linear.gather [hbm4b:s0+s2], $0x80, $0x38;
	[tilespmem:$0xE800] =	vst v63  }
0xc2: {  	s18 =	sadd.s32 $0x4400, s1;
	s25 =	sadd.s32 s4, s8  }
0xc3: {  	[tilespmem:s18], [sflag:$0x1] =	stream.linear.gather [hbm4b:s25+s2], $0x80, $0x38;
	[tilespmem:$0xE800] =	vst v63  }
0xc4: {  	s26 =	sadd.s32 $0x8400, s1;
	s31 =	sadd.s32 s6, s8  }
0xc5: {  	[tilespmem:s26], [sflag:$0x1] =	stream.linear.gather [hbm4b:s31+s2], $0x80, $0x38;
	[tilespmem:$0xE800] =	vst v63  }
0xc6: {  	_ =	swait.ge [sflag:s17], $0x2000  }
0xc7: {  	[sflag:s17] =	ssyncset.done $0x0  }
0xc8: {  	[sflag:s17] =	ssyncadd.s32 $0xFFFFE000  }
0xc9: {  	_ =	swait.ge [sflag:s17], $0x4000  }
0xca: {  	[sflag:s17] =	ssyncset.done $0x0  }
0xcb: {  	[sflag:s17] =	ssyncadd.s32 $0xFFFFC000  }
0xcc: {  	_ =	swait.ge [sflag:s17], $0x4000  }
0xcd: {  	[sflag:s17] =	ssyncset.done $0x0  }
0xce: {  	[sflag:s17] =	ssyncadd.s32 $0xFFFFC000  }
0xcf: {  	s28 =	simm.s32 $0x4420;
	_ =	swait.ge [sflag:s17], $0x4000  }
0xd0: {  	s29 =	simm.s32 $0x420;
	s30 =	simm.s32 $0xC420;
	[sflag:s17] =	ssyncset.done $0x0  }
0xd1: {  	s25 =	simm.s32 $0x0;
	s26 =	simm.s32 $0x8420;
	[sflag:s17] =	ssyncadd.s32 $0xFFFFC000  }
.LBB2_7:
0xd2: {  	v3 =	vld [tilespmem:s29+$0x10]  }
0xd3: {  	v5 =	vld [tilespmem:s28+$0x10]  }
0xd4: {  	v7 =	vld [tilespmem:s29+$0x0]  }
0xd5: {  	v4 =	vld [tilespmem:s29+$0xFFFFFFE0]  }
0xd6: {  	v6 =	vld [tilespmem:s28+$0xFFFFFFE0]  }
0xd7: {  	v8 =	vld [tilespmem:s29+$0xFFFFFFF0]  }
0xd8: {  	v9 =	vld [tilespmem:s28+$0xFFFFFFF0]  }
0xd9: {  	v10 =	vld [tilespmem:s28+$0x0]  }
0xda: {  	v11 =	vld [tilespmem:s26+$0xFFFFFFE0]  }
0xdb: {  	v12 =	vld [tilespmem:s30+$0xFFFFFFE0]  }
0xdc: {  	v13 =	vld [tilespmem:s26+$0xFFFFFFF0]  }
0xdd: {  	v14 =	vld [tilespmem:s30+$0xFFFFFFF0]  }
0xde: {  	v15 =	vld [tilespmem:s26+$0x0];
	v4 =	vmul.f32 v6, v4  }
0xdf: {  	s0 =	sshll.u32 s25, $0x4;
	v16 =	vld [tilespmem:s30+$0x0]  }
0xe0: {  	v17 =	vld [tilespmem:s26+$0x10];
	s31 =	sor.u32 s24, s0;
	v6 =	vmul.f32 v12, v11;
	v8 =	vmul.f32 v9, v8;
	v12 =	vadd.f32 $0.0e+00, v4  }
0xe1: {  	v2 =	vld [tilespmem:s31+$0xE400]  }
0xe2: {  	s1 =	sadd.s32 $0x80, s29;
	v11 =	vld [tilespmem:s30+$0x10];
	v10 =	vmul.f32 v10, v7;
	v8 =	vadd.f32 v8, v12  }
0xe3: {  	s14 =	sadd.s32 $0x80, s28;
	v13 =	vmul.f32 v14, v13;
	v7 =	vld [tilespmem:s1+$0x0];
	v9 =	vadd.f32 $0.0e+00, v6  }
0xe4: {  	v3 =	vmul.f32 v5, v3;
	v5 =	vld [tilespmem:s14+$0xFFFFFFE0];
	v10 =	vadd.f32 v10, v8  }
0xe5: {  	v4 =	vld [tilespmem:s1+$0x10];
	v9 =	vadd.f32 v13, v9;
	v12 =	vmul.f32 v16, v15  }
0xe6: {  	v6 =	vld [tilespmem:s14+$0x10];
	v3 =	vadd.f32 v3, v10  }
0xe7: {  	v13 =	vld [tilespmem:s1+$0xFFFFFFE0];
	v11 =	vmul.f32 v11, v17;
	v9 =	vadd.f32 v12, v9  }
0xe8: {  	v8 =	vld [tilespmem:s1+$0xFFFFFFF0];
	(xrf2) =	vadd.scan.msk.f32 $0xffff, v3  }
0xe9: {  	v10 =	vld [tilespmem:s14+$0xFFFFFFF0];
	v12 =	vadd.f32 v11, v9  }
0xea: {  	s18 =	sadd.s32 $0x80, s26;
	v9 =	vld [tilespmem:s14+$0x0]  }
0xeb: {  	s8 =	sadd.s32 $0x40, s30;
	v11 =	vld [tilespmem:s18+$0xFFFFFFE0];
	(xrf2) =	vadd.scan.msk.f32 $0xffff, v12  }
0xec: {  	s9 =	simm.s32 $0x2;
	s15 =	simm.s32 $0x0;
	s0 =	simm.s32 $0x1;
	v13 =	vmul.f32 v5, v13;
	v5 =	vimm.f32 $0.0e+00;
	v3 =	vimm.f32 $0.0e+00;
	v12 =	vld [tilespmem:s8+$0xFFFFFFE0]  }
.LBB2_8:
0xed: {  	p0 =	sne.s32 s9, $0xF;
	v14 =	vld [tilespmem:s18+$0xFFFFFFF0]  }
0xee: {  	v13 =	vadd.f32 $0.0e+00, v13;
	v8 =	vmul.f32 v10, v8;
	v10 =	vld [tilespmem:s8+$0xFFFFFFF0]  }
0xef: {  	v15 =	vld [tilespmem:s18+$0x0]  }
0xf0: {  	v7 =	vmul.f32 v9, v7;
	v8 =	vadd.f32 v8, v13;
	v9 =	vld [tilespmem:s8+$0x0]  }
0xf1: {  	v11 =	vmul.f32 v12, v11;
	v12 =	vld [tilespmem:s18+$0x10]  }
0xf2: {  	s1 =	sadd.s32 $0x80, s1;
	v7 =	vadd.f32 v7, v8;
	v8 =	vmul.f32 v6, v4;
	v13 =	vld [tilespmem:s8+$0x10];
	v16, _, _ =	vpop (xrf2)  }
0xf3: {  	s14 =	sadd.s32 $0x80, s14;
	v4 =	vld [tilespmem:s1+$0x10];
	v17 =	vadd.f32 $0.0e+00, v11;
	v10 =	vmul.f32 v10, v14  }
0xf4: {  	v6 =	vld [tilespmem:s14+$0x10];
	v14 =	vadd.f32 v8, v7  }
0xf5: {  	v7 =	vld [tilespmem:s1+$0x0];
	v8 =	vadd.f32 v10, v17;
	v9 =	vmul.f32 v9, v15;
	v10 =	vmov s15;
	v11, _, _ =	vpop (xrf2);
	s15 =	smov.u32 s0;
	s0 =	smov.u32 s9  }
0xf6: {  	v15 =	vld [tilespmem:s1+$0xFFFFFFE0];
	vm0 =	veq.s32 v10, v1;
	v10 =	vbroadcast v16, $0xF;
	v11 =	vbroadcast v11, $0xF  }
0xf7: {  	v16 =	vld [tilespmem:s14+$0xFFFFFFE0];
	v9 =	vadd.f32 v9, v8;
	v12 =	vmul.f32 v13, v12;
	v13 =	vsel vm0, $0x3F800000, v0  }
.Ltmp2:
0xf8: {  	v8 =	vld [tilespmem:s1+$0xFFFFFFF0];
	(xrf2) =	vadd.scan.msk.f32 $0xffff, v14;
	v14 =	vmul.f32 v10, v13;
	v11 =	vmul.f32 v11, v13;
	(pc) =	sbr.rel @p0 .LBB2_8-.Ltmp2, $4  }
0xf9: {  	v10 =	vld [tilespmem:s14+$0xFFFFFFF0];
	v12 =	vadd.f32 v12, v9  }
0xfa: {  	s18 =	sadd.s32 $0x80, s18;
	v9 =	vld [tilespmem:s14+$0x0];
	v3 =	vadd.f32 v14, v3;
	v5 =	vadd.f32 v11, v5  }
0xfb: {  	s8 =	sadd.s32 $0x40, s8;
	v11 =	vld [tilespmem:s18+$0xFFFFFFE0];
	(xrf2) =	vadd.scan.msk.f32 $0xffff, v12  }
0xfc: {  	s9 =	sadd.s32 $0x1, s9;
	v13 =	vmul.f32 v16, v15;
	v12 =	vld [tilespmem:s8+$0xFFFFFFE0]  }
0xfd: {  	v14 =	vld [tilespmem:s18+$0xFFFFFFF0]  }
0xfe: {  	v15 =	vld [tilespmem:s8+$0xFFFFFFF0]  }
0xff: {  	v16 =	vld [tilespmem:s18+$0x0]  }
0x100: {  	v17 =	vld [tilespmem:s8+$0x0]  }
0x101: {  	v46 =	vld [tilespmem:s18+$0x10];
	v11 =	vmul.f32 v12, v11  }
0x102: {  	v47 =	vld [tilespmem:s8+$0x10];
	v13 =	vadd.f32 $0.0e+00, v13;
	v8 =	vmul.f32 v10, v8  }
0x103: {  	v14 =	vmul.f32 v15, v14;
	v11 =	vadd.f32 $0.0e+00, v11  }
0x104: {  	v7 =	vmul.f32 v9, v7;
	v8 =	vadd.f32 v8, v13  }
0x105: {  	v49 =	vmul.f32 v17, v16;
	v48 =	vadd.f32 v14, v11  }
0x106: {  	v4 =	vmul.f32 v6, v4;
	v7 =	vadd.f32 v7, v8  }
0x107: {  	v51 =	vmul.f32 v47, v46;
	v50 =	vadd.f32 v49, v48  }
0x108: {  	v4 =	vadd.f32 v4, v7  }
0x109: {  	v6 =	vadd.f32 v51, v50  }
0x10a: {  	(xrf2) =	vadd.scan.msk.f32 $0xffff, v4  }
0x10b: {  	(xrf2) =	vadd.scan.msk.f32 $0xffff, v6;
	_ =	sdelay $0x4  }
0x10c: {  	v2 =	vmax.f32 v2, $1.000000000e+00;
	_ =	sdelay $0x1  }
0x10d: {  	(erf) = vrcp.f32 v2;
	v52, _, _ =	vpop (xrf2)  }
0x10e: {  	v53 =	vmov s15;
	v2, _, _ =	vpop (xrf2)  }
0x10f: {  	vm0 =	veq.s32 v53, v1;
	v2 =	vbroadcast v2, $0xF;
	v54, _, _ =	vpop (xrf2)  }
0x110: {  	v56 =	vmov s0;
	v55 =	vsel vm0, $0x3F800000, v0;
	v4 =	vbroadcast v52, $0xF;
	v57, _, _ =	vpop (xrf2)  }
0x111: {  	vm15 =	veq.s32 v56, v1;
	v2 =	vmul.f32 v2, v55;
	v58 =	vbroadcast v57, $0xF  }
0x112: {  	v59 =	vsel vm15, $0x3F800000, v0;
	v4 =	vmul.f32 v4, v55  }
0x113: {  	v2 =	vadd.f32 v2, v5;
	v60 =	vbroadcast v54, $0xF;
	v61 =	vmul.f32 v58, v59;
	_ =	sdelay $0x1  }
0x114: {  	s25 =	sadd.s32 $0x1, s25;
	v3 =	vadd.f32 v4, v3;
	v62 =	vmul.f32 v60, v59;
	v2 =	vadd.f32 v61, v2  }
0x115: {  	p0 =	sne.s32 s25, $0x8;
	v63 =	vpop (erf)  }
.Ltmp3:
0x116: {  	v3 =	vadd.f32 v62, v3;
	v2 =	vmul.f32 v2, v63;
	(pc) =	sbr.rel @p0 .LBB2_7-.Ltmp3, $4  }
0x117: {  	_ = 	snop  }
0x118: {  	v2 =	vadd.f32 v2, v3  }
0x119: {  	s26 =	sadd.s32 $0x800, s26  }
0x11a: {  	s28 =	sadd.s32 $0x800, s28;
	s29 =	sadd.s32 $0x800, s29;
	s30 =	sadd.s32 $0x400, s30;
	[tilespmem:s31+$0xE600] =	vst v2  }
0x11b: {  	s23 =	sadd.s32 $0x1, s23  }
0x11c: {  	p0 =	sne.s32 s23, $0x4  }
.Ltmp4:
0x11d: {  	_ = 	snop;
	(pc) =	sbr.rel @p0 .LBB2_4-.Ltmp4, $2  }
0x11e: {  	_ =	sdelay $0x2  }
0x11f: {  	s22 =	sadd.s32 $0x80, s22;
	s21 =	sadd.s32 $0x80, s21  }
0x120: {  	s19 =	sadd.s32 $0x1, s19  }
0x121: {  	p0 =	sne.s32 s19, s12  }
.Ltmp5:
0x122: {  	s0 =	simm.s32 $0xE600;
	(pc) =	sbr.rel @p0 .LBB2_1-.Ltmp5, $4  }
0x123: {  	[hbm4b:s11+s2] =	stream.linear.scatter [tilespmem:s0], [sflag:$0x2], $0x200, $0x38;
	[tilespmem:$0xE800] =	vst v63  }
0x124: {  	_ =	swait.ge [sflag:s13], $0x200  }
0x125: {  	[sflag:s13] =	ssyncset.done $0x0  }
0x126: {  	[sflag:s13] =	ssyncadd.s32 $0xFFFFFE00  }
0x127: {  	_ =	sfence.sel $0x180000  }
0x128: {  	[bflag:$0x0] =	sbarrier.arrive $0xFFFF  }
0x129: {  	_ =	strace $0x9000004A  }
0x12a: {  	s0 =	stileid.u32;
	[bflag:$0x2] =	sbarrier.arrive $0xFFFF  }
0x12b: {  	p0 =	sne.s32 s0, $0x0;
	s0 =	rddreg [dreg:$0x4]  }
0x12c: {  	s0 =	sadd.s32 @!p0 $0x100000, s0  }
0x12d: {  	[sflag:s0] =	ssyncadd.tile.s32 @!p0 $0x1;
	_ =	shalt  }
.Lfunc_end2:
_tile_overlayer_lowered:
.L_overlay_start_2:
0x12e: {  	(tag) =	ssettag $0x2  }
0x12f: {  	s0 =	rddreg [dreg:$0x0];
	s2 =	stileid.u32  }
0x130: {  	s1 =	rddreg [dreg:$0x1];
	p0 =	sne.s32 s2, $0x0  }
0x131: {  	s3 =	rddreg [dreg:$0x2];
	[bflag:$0x3] =	sbarrier.arrive $0xFFFF;
	s2 =	simm.s32 @!p0 $0x1C02  }
0x132: {  	[timem:s3], [sflag:s2] =	dma.local @!p0 [hbm:s0], s1  }
0x133: {  	s0 =	simm.s32 @!p0 $0x2  }
0x134: {  	_ =	swait.ge @!p0 [sflag:s0], s1  }
0x135: {  	s1 =	ssub.s32 @!p0 $0x0, s1;
	[sflag:s0] =	ssyncset.done @!p0 $0x0  }
0x136: {  	[sflag:s0] =	ssyncadd.s32 @!p0 s1  }
0x137: {  	[bflag:$0x3] =	sbarrier.arrive $0xFFFF  }
0x138: {  	_ =	shalt  }

</sc_bundles>
